<compile_context>
chip_gen: v7x
topology: tpu7x:2x2x1
jax: 0.10.2.dev20260603
libtpu: 0.0.44.dev20260713+nightly
codegen_flags: <defaults>
</compile_context>

<pallas_src>
import functools

import jax
import jax.numpy as jnp
from jax import lax
from jax.experimental import pallas as pl
from jax.experimental.pallas import tpu as pltpu
from jax.experimental.pallas import tpu_sc as plsc

_D = 128
_C = 128
_NBUF = 4


def kernel(rule_ids, table):
    B, T = rule_ids.shape
    N = B * T
    ids = rule_ids.reshape(N)

    info = plsc.get_sparse_core_info()
    nc, ns = info.num_cores, info.num_subcores
    nw = nc * ns
    R = 16
    table_pad = jnp.pad(table, ((0, R - table.shape[0]), (0, 0)))
    per_w = N // nw
    gc = _NBUF * _C
    n_grp = per_w // gc
    assert per_w * nw == N and n_grp * gc == per_w

    mesh = plsc.VectorSubcoreMesh(core_axis_name="c", subcore_axis_name="s")

    @functools.partial(
        pl.kernel,
        out_type=jax.ShapeDtypeStruct((N, _D), jnp.float32),
        mesh=mesh,
        scratch_types=[
            pltpu.VMEM((2, gc), jnp.int32),
            pltpu.VMEM((_NBUF, _C, _D), jnp.float32),
            pltpu.VMEM((R, _D), jnp.float32),
            pltpu.VMEM_SHARED((R, _D), jnp.float32),
            [pltpu.SemaphoreType.DMA] * _NBUF,
            [pltpu.SemaphoreType.DMA] * _NBUF,
            [pltpu.SemaphoreType.DMA] * 2,
        ],
    )
    def run(ids_hbm, table_hbm, out_hbm, idx_v, rows, tbl_v, tbl_sh,
            gsems, osems, isems):
        wid = lax.axis_index("s") * nc + lax.axis_index("c")
        base = wid * per_w

        pltpu.sync_copy(table_hbm, tbl_v)

        @pl.when(lax.axis_index("s") == 0)
        def _publish():
            pltpu.sync_copy(tbl_v, tbl_sh)

        plsc.subcore_barrier()
        my_table = tbl_sh

        def ids_copy(g, p):
            return pltpu.make_async_copy(
                ids_hbm.at[pl.ds(base + g * gc, gc)], idx_v.at[p], isems[p])

        ids_copy(0, 0).start()

        def grp_pair(s, carry):
            for p in range(2):
                g = 2 * s + p
                goff = base + g * gc
                ids_copy(g, p).wait()
                g_next = jnp.minimum(g + 1, n_grp - 1)
                ids_copy(g_next, 1 - p).start()
                gathers = []
                for b in range(_NBUF):
                    def _wait_prev_store(b=b, off_prev=goff - gc + b * _C):
                        pltpu.make_async_copy(
                            rows.at[b], out_hbm.at[pl.ds(off_prev, _C)],
                            osems[b]).wait()

                    if p == 0:
                        pl.when(s > 0)(_wait_prev_store)
                    else:
                        _wait_prev_store()

                    gathers.append(pltpu.async_copy(
                        my_table.at[idx_v.at[p, pl.ds(b * _C, _C)]],
                        rows.at[b], gsems[b]))
                for b in range(_NBUF):
                    gathers[b].wait()
                    pltpu.async_copy(
                        rows.at[b], out_hbm.at[pl.ds(goff + b * _C, _C)],
                        osems[b])
            return carry

        lax.fori_loop(0, n_grp // 2, grp_pair, 0)
        ids_copy(n_grp - 1, 0).wait()
        for b in range(_NBUF):
            pltpu.make_async_copy(
                rows.at[b], out_hbm.at[pl.ds(base + (n_grp - 1) * gc + b * _C, _C)],
                osems[b]).wait()

    out = run(ids, table_pad)
    return out.reshape(B, T, _D)

# --- scband reference (transcript-rebuilt; emitter-appended) ---
"""Pipeline reference for scband-rule-encoder-89781996355802 (READ-ONLY COPY).

The authoritative reference and input builder live on the scoring server;
editing this copy changes nothing except your own understanding.
"""

import jax, jax.numpy as jnp
import numpy as np

NUM_RULES = 15
EMB_DIM = 128
B, T = 16384, 200

def setup_inputs(seed: int = 0) -> dict:
    key = jax.random.key(seed)
    k1, k2 = jax.random.split(key)
    rule_ids = jax.random.randint(k1, (B, T), 0, NUM_RULES, dtype=jnp.int32)
    # learned parameter: nn.Embedding(NUM_RULES, emb_dim) weight
    table = jax.random.normal(k2, (NUM_RULES, EMB_DIM), dtype=jnp.float32)
    return {"rule_ids": rule_ids, "table": table}

def reference(rule_ids, table):
    # nn.Embedding forward: gather rows of the table by id
    return jnp.take(table, rule_ids, axis=0)

if __name__ == "__main__":
    import jax
    _d = setup_inputs()
    print(jax.jit(kernel)(*tuple(_d.values())))

</pallas_src>

<mosaic_0001>
#map = affine_map<(d0, d1) -> (0)>
#map1 = affine_map<(d0, d1) -> (0, 0)>
module attributes {stable_mosaic.version = 14 : i64} {
  func.func @run(%arg0: i32, %arg1: i32, %arg2: memref<3276800xi32, #tpu.memory_space<hbm>>, %arg3: memref<16x128xf32, #tpu.memory_space<hbm>>, %arg4: memref<3276800x128xf32, #tpu.memory_space<hbm>>, %arg5: memref<2x512xi32, #tpu.memory_space<vmem>>, %arg6: memref<4x128x128xf32, #tpu.memory_space<vmem>>, %arg7: memref<16x128xf32, #tpu.memory_space<vmem>>, %arg8: memref<16x128xf32, #tpu.memory_space<vmem_shared>>, %arg9: memref<!tpu.dma_semaphore, #tpu.memory_space<semaphore_mem>>, %arg10: memref<!tpu.dma_semaphore, #tpu.memory_space<semaphore_mem>>, %arg11: memref<!tpu.dma_semaphore, #tpu.memory_space<semaphore_mem>>, %arg12: memref<!tpu.dma_semaphore, #tpu.memory_space<semaphore_mem>>, %arg13: memref<!tpu.dma_semaphore, #tpu.memory_space<semaphore_mem>>, %arg14: memref<!tpu.dma_semaphore, #tpu.memory_space<semaphore_mem>>, %arg15: memref<!tpu.dma_semaphore, #tpu.memory_space<semaphore_mem>>, %arg16: memref<!tpu.dma_semaphore, #tpu.memory_space<semaphore_mem>>, %arg17: memref<!tpu.dma_semaphore, #tpu.memory_space<semaphore_mem>>, %arg18: memref<!tpu.dma_semaphore, #tpu.memory_space<semaphore_mem>>) attributes {dimension_semantics = [#tpu.dimension_semantics<core_parallel>, #tpu.dimension_semantics<subcore_parallel>], iteration_bounds = array<i64: 2, 16>, scalar_prefetch = 0 : i64, scratch_operands = 14 : i64, tpu.core_type = #tpu.core_type<sc_vector_subcore>, window_params = [{transform_indices = #map}, {transform_indices = #map1}, {transform_indices = #map1}]} {
    %mul3A = arith.constant 2 : i32
    %mul3A_0 = arith.muli %arg1, %mul3A : i32
    %add3A = arith.addi %mul3A_0, %arg0 : i32
    %mul3A_1 = arith.constant 102400 : i32
    %mul3A_2 = arith.muli %add3A, %mul3A_1 : i32
    "tpu.region"() ({
      %run_scoped3A = tpu.sem_alloc : memref<!tpu.dma_semaphore, #tpu.memory_space<semaphore_mem>>
      tpu.enqueue_dma source(%arg3 : memref<16x128xf32, #tpu.memory_space<hbm>>) target(%arg7 : memref<16x128xf32, #tpu.memory_space<vmem>>) target_semaphore(%run_scoped3A : memref<!tpu.dma_semaphore, #tpu.memory_space<semaphore_mem>>)
      tpu.wait_dma2 semaphore(%run_scoped3A : memref<!tpu.dma_semaphore, #tpu.memory_space<semaphore_mem>>) src(%arg3 : memref<16x128xf32, #tpu.memory_space<hbm>>) dst(%arg7 : memref<16x128xf32, #tpu.memory_space<vmem>>)
      tpu.yield
    }) : () -> ()
    %eq3A = arith.constant 0 : i32
    %eq3A_3 = arith.cmpi eq, %arg1, %eq3A : i32
    %convert_element_type3A = arith.extui %eq3A_3 : i1 to i32
    %cond3A = arith.constant 0 : i32
    %cond3A_4 = arith.cmpi ne, %convert_element_type3A, %cond3A : i32
    scf.if %cond3A_4 {
      "tpu.region"() ({
        %run_scoped3A = tpu.sem_alloc : memref<!tpu.dma_semaphore, #tpu.memory_space<semaphore_mem>>
        tpu.enqueue_dma source(%arg7 : memref<16x128xf32, #tpu.memory_space<vmem>>) target(%arg8 : memref<16x128xf32, #tpu.memory_space<vmem_shared>>) target_semaphore(%run_scoped3A : memref<!tpu.dma_semaphore, #tpu.memory_space<semaphore_mem>>)
        tpu.wait_dma2 semaphore(%run_scoped3A : memref<!tpu.dma_semaphore, #tpu.memory_space<semaphore_mem>>) src(%arg7 : memref<16x128xf32, #tpu.memory_space<vmem>>) dst(%arg8 : memref<16x128xf32, #tpu.memory_space<vmem_shared>>)
        tpu.yield
      }) : () -> ()
    } else {
    }
    %barrier3A = arith.constant 0 : index
    tpu.barrier barrier_id(%barrier3A)
    %add3A_5 = arith.constant 0 : i32
    %add3A_6 = arith.addi %mul3A_2, %add3A_5 : i32
    %dma_start3A = arith.constant 0 : i32
    %dma_start3A_7 = arith.constant 0 : i32
    %dma_start3A_8 = tpu.memref_slice %arg5[%dma_start3A, %dma_start3A_7] : memref<2x512xi32, #tpu.memory_space<vmem>> -> memref<1x512xi32, #tpu.memory_space<vmem>>
    %dma_start3A_9 = tpu.memref_squeeze %dma_start3A_8 : memref<1x512xi32, #tpu.memory_space<vmem>> -> memref<512xi32, #tpu.memory_space<vmem>>
    %dma_start3A_10 = tpu.memref_slice %arg2[%add3A_6] : memref<3276800xi32, #tpu.memory_space<hbm>> -> memref<512xi32, #tpu.memory_space<hbm>>
    %dma_start3A_11 = arith.constant 0 : i32
    %dma_start3A_12 = tpu.memref_slice %arg5[%dma_start3A, %dma_start3A_11] : memref<2x512xi32, #tpu.memory_space<vmem>> -> memref<1x512xi32, #tpu.memory_space<vmem>>
    %dma_start3A_13 = tpu.memref_squeeze %dma_start3A_12 : memref<1x512xi32, #tpu.memory_space<vmem>> -> memref<512xi32, #tpu.memory_space<vmem>>
    %dma_start3A_14 = tpu.memref_slice %arg2[%add3A_6] : memref<3276800xi32, #tpu.memory_space<hbm>> -> memref<512xi32, #tpu.memory_space<hbm>>
    tpu.enqueue_dma source(%dma_start3A_14 : memref<512xi32, #tpu.memory_space<hbm>>) target(%dma_start3A_13 : memref<512xi32, #tpu.memory_space<vmem>>) target_semaphore(%arg17 : memref<!tpu.dma_semaphore, #tpu.memory_space<semaphore_mem>>)
    %scan3A = arith.constant 0 : i32
    %scan3A_15 = arith.constant 0 : i32
    %scan3A_16 = arith.constant 100 : i32
    %scan3A_17 = arith.addi %scan3A_15, %scan3A_16 : i32
    %scan3A_18 = arith.constant 1 : i32
    scf.for %scan3A_98 = %scan3A_15 to %scan3A_17 step %scan3A_18  : i32 {
      %mul3A_99 = arith.constant 2 : i32
      %mul3A_100 = arith.muli %mul3A_99, %scan3A_98 : i32
      %add3A_101 = arith.constant 0 : i32
      %add3A_102 = arith.addi %mul3A_100, %add3A_101 : i32
      %mul3A_103 = arith.constant 512 : i32
      %mul3A_104 = arith.muli %add3A_102, %mul3A_103 : i32
      %add3A_105 = arith.addi %mul3A_2, %mul3A_104 : i32
      %mul3A_106 = arith.constant 512 : i32
      %mul3A_107 = arith.muli %add3A_102, %mul3A_106 : i32
      %add3A_108 = arith.addi %mul3A_2, %mul3A_107 : i32
      %dma_wait3A_109 = arith.constant 0 : i32
      %dma_wait3A_110 = arith.constant 0 : i32
      %dma_wait3A_111 = tpu.memref_slice %arg5[%dma_wait3A_109, %dma_wait3A_110] : memref<2x512xi32, #tpu.memory_space<vmem>> -> memref<1x512xi32, #tpu.memory_space<vmem>>
      %dma_wait3A_112 = tpu.memref_squeeze %dma_wait3A_111 : memref<1x512xi32, #tpu.memory_space<vmem>> -> memref<512xi32, #tpu.memory_space<vmem>>
      %dma_wait3A_113 = tpu.memref_slice %arg2[%add3A_108] : memref<3276800xi32, #tpu.memory_space<hbm>> -> memref<512xi32, #tpu.memory_space<hbm>>
      %dma_wait3A_114 = arith.constant 0 : i32
      %dma_wait3A_115 = tpu.memref_slice %arg5[%dma_wait3A_109, %dma_wait3A_114] : memref<2x512xi32, #tpu.memory_space<vmem>> -> memref<1x512xi32, #tpu.memory_space<vmem>>
      %dma_wait3A_116 = tpu.memref_squeeze %dma_wait3A_115 : memref<1x512xi32, #tpu.memory_space<vmem>> -> memref<512xi32, #tpu.memory_space<vmem>>
      %dma_wait3A_117 = tpu.memref_slice %arg2[%add3A_108] : memref<3276800xi32, #tpu.memory_space<hbm>> -> memref<512xi32, #tpu.memory_space<hbm>>
      tpu.wait_dma2 semaphore(%arg17 : memref<!tpu.dma_semaphore, #tpu.memory_space<semaphore_mem>>) src(%dma_wait3A_117 : memref<512xi32, #tpu.memory_space<hbm>>) dst(%dma_wait3A_116 : memref<512xi32, #tpu.memory_space<vmem>>)
      %add3A_118 = arith.constant 1 : i32
      %add3A_119 = arith.addi %add3A_102, %add3A_118 : i32
      %min3A = arith.constant 199 : i32
      %min3A_120 = arith.minsi %add3A_119, %min3A : i32
      %mul3A_121 = arith.constant 512 : i32
      %mul3A_122 = arith.muli %min3A_120, %mul3A_121 : i32
      %add3A_123 = arith.addi %mul3A_2, %mul3A_122 : i32
      %dma_start3A_124 = arith.constant 1 : i32
      %dma_start3A_125 = arith.constant 0 : i32
      %dma_start3A_126 = tpu.memref_slice %arg5[%dma_start3A_124, %dma_start3A_125] : memref<2x512xi32, #tpu.memory_space<vmem>> -> memref<1x512xi32, #tpu.memory_space<vmem>>
      %dma_start3A_127 = tpu.memref_squeeze %dma_start3A_126 : memref<1x512xi32, #tpu.memory_space<vmem>> -> memref<512xi32, #tpu.memory_space<vmem>>
      %dma_start3A_128 = tpu.memref_slice %arg2[%add3A_123] : memref<3276800xi32, #tpu.memory_space<hbm>> -> memref<512xi32, #tpu.memory_space<hbm>>
      %dma_start3A_129 = arith.constant 0 : i32
      %dma_start3A_130 = tpu.memref_slice %arg5[%dma_start3A_124, %dma_start3A_129] : memref<2x512xi32, #tpu.memory_space<vmem>> -> memref<1x512xi32, #tpu.memory_space<vmem>>
      %dma_start3A_131 = tpu.memref_squeeze %dma_start3A_130 : memref<1x512xi32, #tpu.memory_space<vmem>> -> memref<512xi32, #tpu.memory_space<vmem>>
      %dma_start3A_132 = tpu.memref_slice %arg2[%add3A_123] : memref<3276800xi32, #tpu.memory_space<hbm>> -> memref<512xi32, #tpu.memory_space<hbm>>
      tpu.enqueue_dma source(%dma_start3A_132 : memref<512xi32, #tpu.memory_space<hbm>>) target(%dma_start3A_131 : memref<512xi32, #tpu.memory_space<vmem>>) target_semaphore(%arg18 : memref<!tpu.dma_semaphore, #tpu.memory_space<semaphore_mem>>)
      %sub3A = arith.constant 512 : i32
      %sub3A_133 = arith.subi %add3A_105, %sub3A : i32
      %add3A_134 = arith.constant 0 : i32
      %add3A_135 = arith.addi %sub3A_133, %add3A_134 : i32
      %gt3A = arith.constant 0 : i32
      %gt3A_136 = arith.cmpi sgt, %scan3A_98, %gt3A : i32
      %convert_element_type3A_137 = arith.extui %gt3A_136 : i1 to i32
      %cond3A_138 = arith.constant 0 : i32
      %cond3A_139 = arith.cmpi ne, %convert_element_type3A_137, %cond3A_138 : i32
      scf.if %cond3A_139 {
        %dma_wait3A_582 = arith.constant 0 : i32
        %dma_wait3A_583 = arith.constant 0 : i32
        %dma_wait3A_584 = arith.constant 0 : i32
        %dma_wait3A_585 = tpu.memref_slice %arg6[%dma_wait3A_582, %dma_wait3A_583, %dma_wait3A_584] : memref<4x128x128xf32, #tpu.memory_space<vmem>> -> memref<1x128x128xf32, #tpu.memory_space<vmem>>
        %dma_wait3A_586 = tpu.memref_squeeze %dma_wait3A_585 : memref<1x128x128xf32, #tpu.memory_space<vmem>> -> memref<128x128xf32, #tpu.memory_space<vmem>>
        %dma_wait3A_587 = arith.constant 0 : i32
        %dma_wait3A_588 = tpu.memref_slice %arg4[%add3A_135, %dma_wait3A_587] : memref<3276800x128xf32, #tpu.memory_space<hbm>> -> memref<128x128xf32, #tpu.memory_space<hbm>>
        %dma_wait3A_589 = arith.constant 0 : i32
        %dma_wait3A_590 = tpu.memref_slice %arg4[%add3A_135, %dma_wait3A_589] : memref<3276800x128xf32, #tpu.memory_space<hbm>> -> memref<128x128xf32, #tpu.memory_space<hbm>>
        %dma_wait3A_591 = arith.constant 0 : i32
        %dma_wait3A_592 = arith.constant 0 : i32
        %dma_wait3A_593 = tpu.memref_slice %arg6[%dma_wait3A_582, %dma_wait3A_591, %dma_wait3A_592] : memref<4x128x128xf32, #tpu.memory_space<vmem>> -> memref<1x128x128xf32, #tpu.memory_space<vmem>>
        %dma_wait3A_594 = tpu.memref_squeeze %dma_wait3A_593 : memref<1x128x128xf32, #tpu.memory_space<vmem>> -> memref<128x128xf32, #tpu.memory_space<vmem>>
        tpu.wait_dma2 semaphore(%arg13 : memref<!tpu.dma_semaphore, #tpu.memory_space<semaphore_mem>>) src(%dma_wait3A_594 : memref<128x128xf32, #tpu.memory_space<vmem>>) dst(%dma_wait3A_590 : memref<128x128xf32, #tpu.memory_space<hbm>>)
      } else {
      }
      %dma_start3A_140 = arith.constant 0 : i32
      %dma_start3A_141 = arith.constant 0 : i32
      %dma_start3A_142 = arith.constant 0 : i32
      %dma_start3A_143 = arith.constant 0 : i32
      %dma_start3A_144 = tpu.memref_slice %arg6[%dma_start3A_141, %dma_start3A_142, %dma_start3A_143] : memref<4x128x128xf32, #tpu.memory_space<vmem>> -> memref<1x128x128xf32, #tpu.memory_space<vmem>>
      %dma_start3A_145 = tpu.memref_squeeze %dma_start3A_144 : memref<1x128x128xf32, #tpu.memory_space<vmem>> -> memref<128x128xf32, #tpu.memory_space<vmem>>
      %dma_start3A_146 = arith.constant 0 : i32
      %dma_start3A_147 = tpu.memref_slice %arg5[%dma_start3A_140, %dma_start3A_146] : memref<2x512xi32, #tpu.memory_space<vmem>> -> memref<1x128xi32, #tpu.memory_space<vmem>>
      %dma_start3A_148 = tpu.memref_squeeze %dma_start3A_147 : memref<1x128xi32, #tpu.memory_space<vmem>> -> memref<128xi32, #tpu.memory_space<vmem>>
      %dma_start3A_149 = arith.constant 0 : i32
      %dma_start3A_150 = arith.constant 0 : i32
      %dma_start3A_151 = tpu.memref_slice %arg8[%dma_start3A_149, %dma_start3A_150] : memref<16x128xf32, #tpu.memory_space<vmem_shared>> -> memref<16x128xf32, #tpu.memory_space<vmem_shared>>
      tpu.enqueue_indirect_dma source(%dma_start3A_151 : memref<16x128xf32, #tpu.memory_space<vmem_shared>>) target(%dma_start3A_145 : memref<128x128xf32, #tpu.memory_space<vmem>>) offsets(%dma_start3A_148 : memref<128xi32, #tpu.memory_space<vmem>>) semaphore(%arg9 : memref<!tpu.dma_semaphore, #tpu.memory_space<semaphore_mem>>)
      %sub3A_152 = arith.constant 512 : i32
      %sub3A_153 = arith.subi %add3A_105, %sub3A_152 : i32
      %add3A_154 = arith.constant 128 : i32
      %add3A_155 = arith.addi %sub3A_153, %add3A_154 : i32
      %gt3A_156 = arith.constant 0 : i32
      %gt3A_157 = arith.cmpi sgt, %scan3A_98, %gt3A_156 : i32
      %convert_element_type3A_158 = arith.extui %gt3A_157 : i1 to i32
      %cond3A_159 = arith.constant 0 : i32
      %cond3A_160 = arith.cmpi ne, %convert_element_type3A_158, %cond3A_159 : i32
      scf.if %cond3A_160 {
        %dma_wait3A_582 = arith.constant 1 : i32
        %dma_wait3A_583 = arith.constant 0 : i32
        %dma_wait3A_584 = arith.constant 0 : i32
        %dma_wait3A_585 = tpu.memref_slice %arg6[%dma_wait3A_582, %dma_wait3A_583, %dma_wait3A_584] : memref<4x128x128xf32, #tpu.memory_space<vmem>> -> memref<1x128x128xf32, #tpu.memory_space<vmem>>
        %dma_wait3A_586 = tpu.memref_squeeze %dma_wait3A_585 : memref<1x128x128xf32, #tpu.memory_space<vmem>> -> memref<128x128xf32, #tpu.memory_space<vmem>>
        %dma_wait3A_587 = arith.constant 0 : i32
        %dma_wait3A_588 = tpu.memref_slice %arg4[%add3A_155, %dma_wait3A_587] : memref<3276800x128xf32, #tpu.memory_space<hbm>> -> memref<128x128xf32, #tpu.memory_space<hbm>>
        %dma_wait3A_589 = arith.constant 0 : i32
        %dma_wait3A_590 = tpu.memref_slice %arg4[%add3A_155, %dma_wait3A_589] : memref<3276800x128xf32, #tpu.memory_space<hbm>> -> memref<128x128xf32, #tpu.memory_space<hbm>>
        %dma_wait3A_591 = arith.constant 0 : i32
        %dma_wait3A_592 = arith.constant 0 : i32
        %dma_wait3A_593 = tpu.memref_slice %arg6[%dma_wait3A_582, %dma_wait3A_591, %dma_wait3A_592] : memref<4x128x128xf32, #tpu.memory_space<vmem>> -> memref<1x128x128xf32, #tpu.memory_space<vmem>>
        %dma_wait3A_594 = tpu.memref_squeeze %dma_wait3A_593 : memref<1x128x128xf32, #tpu.memory_space<vmem>> -> memref<128x128xf32, #tpu.memory_space<vmem>>
        tpu.wait_dma2 semaphore(%arg14 : memref<!tpu.dma_semaphore, #tpu.memory_space<semaphore_mem>>) src(%dma_wait3A_594 : memref<128x128xf32, #tpu.memory_space<vmem>>) dst(%dma_wait3A_590 : memref<128x128xf32, #tpu.memory_space<hbm>>)
      } else {
      }
      %dma_start3A_161 = arith.constant 0 : i32
      %dma_start3A_162 = arith.constant 1 : i32
      %dma_start3A_163 = arith.constant 0 : i32
      %dma_start3A_164 = arith.constant 0 : i32
      %dma_start3A_165 = tpu.memref_slice %arg6[%dma_start3A_162, %dma_start3A_163, %dma_start3A_164] : memref<4x128x128xf32, #tpu.memory_space<vmem>> -> memref<1x128x128xf32, #tpu.memory_space<vmem>>
      %dma_start3A_166 = tpu.memref_squeeze %dma_start3A_165 : memref<1x128x128xf32, #tpu.memory_space<vmem>> -> memref<128x128xf32, #tpu.memory_space<vmem>>
      %dma_start3A_167 = arith.constant 128 : i32
      %dma_start3A_168 = tpu.memref_slice %arg5[%dma_start3A_161, %dma_start3A_167] : memref<2x512xi32, #tpu.memory_space<vmem>> -> memref<1x128xi32, #tpu.memory_space<vmem>>
      %dma_start3A_169 = tpu.memref_squeeze %dma_start3A_168 : memref<1x128xi32, #tpu.memory_space<vmem>> -> memref<128xi32, #tpu.memory_space<vmem>>
      %dma_start3A_170 = arith.constant 0 : i32
      %dma_start3A_171 = arith.constant 0 : i32
      %dma_start3A_172 = tpu.memref_slice %arg8[%dma_start3A_170, %dma_start3A_171] : memref<16x128xf32, #tpu.memory_space<vmem_shared>> -> memref<16x128xf32, #tpu.memory_space<vmem_shared>>
      tpu.enqueue_indirect_dma source(%dma_start3A_172 : memref<16x128xf32, #tpu.memory_space<vmem_shared>>) target(%dma_start3A_166 : memref<128x128xf32, #tpu.memory_space<vmem>>) offsets(%dma_start3A_169 : memref<128xi32, #tpu.memory_space<vmem>>) semaphore(%arg10 : memref<!tpu.dma_semaphore, #tpu.memory_space<semaphore_mem>>)
      %sub3A_173 = arith.constant 512 : i32
      %sub3A_174 = arith.subi %add3A_105, %sub3A_173 : i32
      %add3A_175 = arith.constant 256 : i32
      %add3A_176 = arith.addi %sub3A_174, %add3A_175 : i32
      %gt3A_177 = arith.constant 0 : i32
      %gt3A_178 = arith.cmpi sgt, %scan3A_98, %gt3A_177 : i32
      %convert_element_type3A_179 = arith.extui %gt3A_178 : i1 to i32
      %cond3A_180 = arith.constant 0 : i32
      %cond3A_181 = arith.cmpi ne, %convert_element_type3A_179, %cond3A_180 : i32
      scf.if %cond3A_181 {
        %dma_wait3A_582 = arith.constant 2 : i32
        %dma_wait3A_583 = arith.constant 0 : i32
        %dma_wait3A_584 = arith.constant 0 : i32
        %dma_wait3A_585 = tpu.memref_slice %arg6[%dma_wait3A_582, %dma_wait3A_583, %dma_wait3A_584] : memref<4x128x128xf32, #tpu.memory_space<vmem>> -> memref<1x128x128xf32, #tpu.memory_space<vmem>>
        %dma_wait3A_586 = tpu.memref_squeeze %dma_wait3A_585 : memref<1x128x128xf32, #tpu.memory_space<vmem>> -> memref<128x128xf32, #tpu.memory_space<vmem>>
        %dma_wait3A_587 = arith.constant 0 : i32
        %dma_wait3A_588 = tpu.memref_slice %arg4[%add3A_176, %dma_wait3A_587] : memref<3276800x128xf32, #tpu.memory_space<hbm>> -> memref<128x128xf32, #tpu.memory_space<hbm>>
        %dma_wait3A_589 = arith.constant 0 : i32
        %dma_wait3A_590 = tpu.memref_slice %arg4[%add3A_176, %dma_wait3A_589] : memref<3276800x128xf32, #tpu.memory_space<hbm>> -> memref<128x128xf32, #tpu.memory_space<hbm>>
        %dma_wait3A_591 = arith.constant 0 : i32
        %dma_wait3A_592 = arith.constant 0 : i32
        %dma_wait3A_593 = tpu.memref_slice %arg6[%dma_wait3A_582, %dma_wait3A_591, %dma_wait3A_592] : memref<4x128x128xf32, #tpu.memory_space<vmem>> -> memref<1x128x128xf32, #tpu.memory_space<vmem>>
        %dma_wait3A_594 = tpu.memref_squeeze %dma_wait3A_593 : memref<1x128x128xf32, #tpu.memory_space<vmem>> -> memref<128x128xf32, #tpu.memory_space<vmem>>
        tpu.wait_dma2 semaphore(%arg15 : memref<!tpu.dma_semaphore, #tpu.memory_space<semaphore_mem>>) src(%dma_wait3A_594 : memref<128x128xf32, #tpu.memory_space<vmem>>) dst(%dma_wait3A_590 : memref<128x128xf32, #tpu.memory_space<hbm>>)
      } else {
      }
      %dma_start3A_182 = arith.constant 0 : i32
      %dma_start3A_183 = arith.constant 2 : i32
      %dma_start3A_184 = arith.constant 0 : i32
      %dma_start3A_185 = arith.constant 0 : i32
      %dma_start3A_186 = tpu.memref_slice %arg6[%dma_start3A_183, %dma_start3A_184, %dma_start3A_185] : memref<4x128x128xf32, #tpu.memory_space<vmem>> -> memref<1x128x128xf32, #tpu.memory_space<vmem>>
      %dma_start3A_187 = tpu.memref_squeeze %dma_start3A_186 : memref<1x128x128xf32, #tpu.memory_space<vmem>> -> memref<128x128xf32, #tpu.memory_space<vmem>>
      %dma_start3A_188 = arith.constant 256 : i32
      %dma_start3A_189 = tpu.memref_slice %arg5[%dma_start3A_182, %dma_start3A_188] : memref<2x512xi32, #tpu.memory_space<vmem>> -> memref<1x128xi32, #tpu.memory_space<vmem>>
      %dma_start3A_190 = tpu.memref_squeeze %dma_start3A_189 : memref<1x128xi32, #tpu.memory_space<vmem>> -> memref<128xi32, #tpu.memory_space<vmem>>
      %dma_start3A_191 = arith.constant 0 : i32
      %dma_start3A_192 = arith.constant 0 : i32
      %dma_start3A_193 = tpu.memref_slice %arg8[%dma_start3A_191, %dma_start3A_192] : memref<16x128xf32, #tpu.memory_space<vmem_shared>> -> memref<16x128xf32, #tpu.memory_space<vmem_shared>>
      tpu.enqueue_indirect_dma source(%dma_start3A_193 : memref<16x128xf32, #tpu.memory_space<vmem_shared>>) target(%dma_start3A_187 : memref<128x128xf32, #tpu.memory_space<vmem>>) offsets(%dma_start3A_190 : memref<128xi32, #tpu.memory_space<vmem>>) semaphore(%arg11 : memref<!tpu.dma_semaphore, #tpu.memory_space<semaphore_mem>>)
      %sub3A_194 = arith.constant 512 : i32
      %sub3A_195 = arith.subi %add3A_105, %sub3A_194 : i32
      %add3A_196 = arith.constant 384 : i32
      %add3A_197 = arith.addi %sub3A_195, %add3A_196 : i32
      %gt3A_198 = arith.constant 0 : i32
      %gt3A_199 = arith.cmpi sgt, %scan3A_98, %gt3A_198 : i32
      %convert_element_type3A_200 = arith.extui %gt3A_199 : i1 to i32
      %cond3A_201 = arith.constant 0 : i32
      %cond3A_202 = arith.cmpi ne, %convert_element_type3A_200, %cond3A_201 : i32
      scf.if %cond3A_202 {
        %dma_wait3A_582 = arith.constant 3 : i32
        %dma_wait3A_583 = arith.constant 0 : i32
        %dma_wait3A_584 = arith.constant 0 : i32
        %dma_wait3A_585 = tpu.memref_slice %arg6[%dma_wait3A_582, %dma_wait3A_583, %dma_wait3A_584] : memref<4x128x128xf32, #tpu.memory_space<vmem>> -> memref<1x128x128xf32, #tpu.memory_space<vmem>>
        %dma_wait3A_586 = tpu.memref_squeeze %dma_wait3A_585 : memref<1x128x128xf32, #tpu.memory_space<vmem>> -> memref<128x128xf32, #tpu.memory_space<vmem>>
        %dma_wait3A_587 = arith.constant 0 : i32
        %dma_wait3A_588 = tpu.memref_slice %arg4[%add3A_197, %dma_wait3A_587] : memref<3276800x128xf32, #tpu.memory_space<hbm>> -> memref<128x128xf32, #tpu.memory_space<hbm>>
        %dma_wait3A_589 = arith.constant 0 : i32
        %dma_wait3A_590 = tpu.memref_slice %arg4[%add3A_197, %dma_wait3A_589] : memref<3276800x128xf32, #tpu.memory_space<hbm>> -> memref<128x128xf32, #tpu.memory_space<hbm>>
        %dma_wait3A_591 = arith.constant 0 : i32
        %dma_wait3A_592 = arith.constant 0 : i32
        %dma_wait3A_593 = tpu.memref_slice %arg6[%dma_wait3A_582, %dma_wait3A_591, %dma_wait3A_592] : memref<4x128x128xf32, #tpu.memory_space<vmem>> -> memref<1x128x128xf32, #tpu.memory_space<vmem>>
        %dma_wait3A_594 = tpu.memref_squeeze %dma_wait3A_593 : memref<1x128x128xf32, #tpu.memory_space<vmem>> -> memref<128x128xf32, #tpu.memory_space<vmem>>
        tpu.wait_dma2 semaphore(%arg16 : memref<!tpu.dma_semaphore, #tpu.memory_space<semaphore_mem>>) src(%dma_wait3A_594 : memref<128x128xf32, #tpu.memory_space<vmem>>) dst(%dma_wait3A_590 : memref<128x128xf32, #tpu.memory_space<hbm>>)
      } else {
      }
      %dma_start3A_203 = arith.constant 0 : i32
      %dma_start3A_204 = arith.constant 3 : i32
      %dma_start3A_205 = arith.constant 0 : i32
      %dma_start3A_206 = arith.constant 0 : i32
      %dma_start3A_207 = tpu.memref_slice %arg6[%dma_start3A_204, %dma_start3A_205, %dma_start3A_206] : memref<4x128x128xf32, #tpu.memory_space<vmem>> -> memref<1x128x128xf32, #tpu.memory_space<vmem>>
      %dma_start3A_208 = tpu.memref_squeeze %dma_start3A_207 : memref<1x128x128xf32, #tpu.memory_space<vmem>> -> memref<128x128xf32, #tpu.memory_space<vmem>>
      %dma_start3A_209 = arith.constant 384 : i32
      %dma_start3A_210 = tpu.memref_slice %arg5[%dma_start3A_203, %dma_start3A_209] : memref<2x512xi32, #tpu.memory_space<vmem>> -> memref<1x128xi32, #tpu.memory_space<vmem>>
      %dma_start3A_211 = tpu.memref_squeeze %dma_start3A_210 : memref<1x128xi32, #tpu.memory_space<vmem>> -> memref<128xi32, #tpu.memory_space<vmem>>
      %dma_start3A_212 = arith.constant 0 : i32
      %dma_start3A_213 = arith.constant 0 : i32
      %dma_start3A_214 = tpu.memref_slice %arg8[%dma_start3A_212, %dma_start3A_213] : memref<16x128xf32, #tpu.memory_space<vmem_shared>> -> memref<16x128xf32, #tpu.memory_space<vmem_shared>>
      tpu.enqueue_indirect_dma source(%dma_start3A_214 : memref<16x128xf32, #tpu.memory_space<vmem_shared>>) target(%dma_start3A_208 : memref<128x128xf32, #tpu.memory_space<vmem>>) offsets(%dma_start3A_211 : memref<128xi32, #tpu.memory_space<vmem>>) semaphore(%arg12 : memref<!tpu.dma_semaphore, #tpu.memory_space<semaphore_mem>>)
      %dma_wait3A_215 = arith.constant 0 : i32
      %dma_wait3A_216 = arith.constant 0 : i32
      %dma_wait3A_217 = arith.constant 0 : i32
      %dma_wait3A_218 = arith.constant 0 : i32
      %dma_wait3A_219 = tpu.memref_slice %arg6[%dma_wait3A_216, %dma_wait3A_217, %dma_wait3A_218] : memref<4x128x128xf32, #tpu.memory_space<vmem>> -> memref<1x128x128xf32, #tpu.memory_space<vmem>>
      %dma_wait3A_220 = tpu.memref_squeeze %dma_wait3A_219 : memref<1x128x128xf32, #tpu.memory_space<vmem>> -> memref<128x128xf32, #tpu.memory_space<vmem>>
      %dma_wait3A_221 = arith.constant 0 : i32
      %dma_wait3A_222 = tpu.memref_slice %arg5[%dma_wait3A_215, %dma_wait3A_221] : memref<2x512xi32, #tpu.memory_space<vmem>> -> memref<1x128xi32, #tpu.memory_space<vmem>>
      %dma_wait3A_223 = tpu.memref_squeeze %dma_wait3A_222 : memref<1x128xi32, #tpu.memory_space<vmem>> -> memref<128xi32, #tpu.memory_space<vmem>>
      %dma_wait3A_224 = arith.constant 0 : i32
      %dma_wait3A_225 = arith.constant 0 : i32
      %dma_wait3A_226 = tpu.memref_slice %arg8[%dma_wait3A_224, %dma_wait3A_225] : memref<16x128xf32, #tpu.memory_space<vmem_shared>> -> memref<16x128xf32, #tpu.memory_space<vmem_shared>>
      tpu.wait_indirect_dma semaphore(%arg9 : memref<!tpu.dma_semaphore, #tpu.memory_space<semaphore_mem>>) src(%dma_wait3A_226 : memref<16x128xf32, #tpu.memory_space<vmem_shared>>) dst(%dma_wait3A_220 : memref<128x128xf32, #tpu.memory_space<vmem>>)
      %add3A_227 = arith.constant 0 : i32
      %add3A_228 = arith.addi %add3A_105, %add3A_227 : i32
      %dma_start3A_229 = arith.constant 0 : i32
      %dma_start3A_230 = arith.constant 0 : i32
      %dma_start3A_231 = arith.constant 0 : i32
      %dma_start3A_232 = tpu.memref_slice %arg6[%dma_start3A_229, %dma_start3A_230, %dma_start3A_231] : memref<4x128x128xf32, #tpu.memory_space<vmem>> -> memref<1x128x128xf32, #tpu.memory_space<vmem>>
      %dma_start3A_233 = tpu.memref_squeeze %dma_start3A_232 : memref<1x128x128xf32, #tpu.memory_space<vmem>> -> memref<128x128xf32, #tpu.memory_space<vmem>>
      %dma_start3A_234 = arith.constant 0 : i32
      %dma_start3A_235 = tpu.memref_slice %arg4[%add3A_228, %dma_start3A_234] : memref<3276800x128xf32, #tpu.memory_space<hbm>> -> memref<128x128xf32, #tpu.memory_space<hbm>>
      %dma_start3A_236 = arith.constant 0 : i32
      %dma_start3A_237 = tpu.memref_slice %arg4[%add3A_228, %dma_start3A_236] : memref<3276800x128xf32, #tpu.memory_space<hbm>> -> memref<128x128xf32, #tpu.memory_space<hbm>>
      %dma_start3A_238 = arith.constant 0 : i32
      %dma_start3A_239 = arith.constant 0 : i32
      %dma_start3A_240 = tpu.memref_slice %arg6[%dma_start3A_229, %dma_start3A_238, %dma_start3A_239] : memref<4x128x128xf32, #tpu.memory_space<vmem>> -> memref<1x128x128xf32, #tpu.memory_space<vmem>>
      %dma_start3A_241 = tpu.memref_squeeze %dma_start3A_240 : memref<1x128x128xf32, #tpu.memory_space<vmem>> -> memref<128x128xf32, #tpu.memory_space<vmem>>
      tpu.enqueue_dma source(%dma_start3A_241 : memref<128x128xf32, #tpu.memory_space<vmem>>) target(%dma_start3A_237 : memref<128x128xf32, #tpu.memory_space<hbm>>) target_semaphore(%arg13 : memref<!tpu.dma_semaphore, #tpu.memory_space<semaphore_mem>>)
      %dma_wait3A_242 = arith.constant 0 : i32
      %dma_wait3A_243 = arith.constant 1 : i32
      %dma_wait3A_244 = arith.constant 0 : i32
      %dma_wait3A_245 = arith.constant 0 : i32
      %dma_wait3A_246 = tpu.memref_slice %arg6[%dma_wait3A_243, %dma_wait3A_244, %dma_wait3A_245] : memref<4x128x128xf32, #tpu.memory_space<vmem>> -> memref<1x128x128xf32, #tpu.memory_space<vmem>>
      %dma_wait3A_247 = tpu.memref_squeeze %dma_wait3A_246 : memref<1x128x128xf32, #tpu.memory_space<vmem>> -> memref<128x128xf32, #tpu.memory_space<vmem>>
      %dma_wait3A_248 = arith.constant 128 : i32
      %dma_wait3A_249 = tpu.memref_slice %arg5[%dma_wait3A_242, %dma_wait3A_248] : memref<2x512xi32, #tpu.memory_space<vmem>> -> memref<1x128xi32, #tpu.memory_space<vmem>>
      %dma_wait3A_250 = tpu.memref_squeeze %dma_wait3A_249 : memref<1x128xi32, #tpu.memory_space<vmem>> -> memref<128xi32, #tpu.memory_space<vmem>>
      %dma_wait3A_251 = arith.constant 0 : i32
      %dma_wait3A_252 = arith.constant 0 : i32
      %dma_wait3A_253 = tpu.memref_slice %arg8[%dma_wait3A_251, %dma_wait3A_252] : memref<16x128xf32, #tpu.memory_space<vmem_shared>> -> memref<16x128xf32, #tpu.memory_space<vmem_shared>>
      tpu.wait_indirect_dma semaphore(%arg10 : memref<!tpu.dma_semaphore, #tpu.memory_space<semaphore_mem>>) src(%dma_wait3A_253 : memref<16x128xf32, #tpu.memory_space<vmem_shared>>) dst(%dma_wait3A_247 : memref<128x128xf32, #tpu.memory_space<vmem>>)
      %add3A_254 = arith.constant 128 : i32
      %add3A_255 = arith.addi %add3A_105, %add3A_254 : i32
      %dma_start3A_256 = arith.constant 1 : i32
      %dma_start3A_257 = arith.constant 0 : i32
      %dma_start3A_258 = arith.constant 0 : i32
      %dma_start3A_259 = tpu.memref_slice %arg6[%dma_start3A_256, %dma_start3A_257, %dma_start3A_258] : memref<4x128x128xf32, #tpu.memory_space<vmem>> -> memref<1x128x128xf32, #tpu.memory_space<vmem>>
      %dma_start3A_260 = tpu.memref_squeeze %dma_start3A_259 : memref<1x128x128xf32, #tpu.memory_space<vmem>> -> memref<128x128xf32, #tpu.memory_space<vmem>>
      %dma_start3A_261 = arith.constant 0 : i32
      %dma_start3A_262 = tpu.memref_slice %arg4[%add3A_255, %dma_start3A_261] : memref<3276800x128xf32, #tpu.memory_space<hbm>> -> memref<128x128xf32, #tpu.memory_space<hbm>>
      %dma_start3A_263 = arith.constant 0 : i32
      %dma_start3A_264 = tpu.memref_slice %arg4[%add3A_255, %dma_start3A_263] : memref<3276800x128xf32, #tpu.memory_space<hbm>> -> memref<128x128xf32, #tpu.memory_space<hbm>>
      %dma_start3A_265 = arith.constant 0 : i32
      %dma_start3A_266 = arith.constant 0 : i32
      %dma_start3A_267 = tpu.memref_slice %arg6[%dma_start3A_256, %dma_start3A_265, %dma_start3A_266] : memref<4x128x128xf32, #tpu.memory_space<vmem>> -> memref<1x128x128xf32, #tpu.memory_space<vmem>>
      %dma_start3A_268 = tpu.memref_squeeze %dma_start3A_267 : memref<1x128x128xf32, #tpu.memory_space<vmem>> -> memref<128x128xf32, #tpu.memory_space<vmem>>
      tpu.enqueue_dma source(%dma_start3A_268 : memref<128x128xf32, #tpu.memory_space<vmem>>) target(%dma_start3A_264 : memref<128x128xf32, #tpu.memory_space<hbm>>) target_semaphore(%arg14 : memref<!tpu.dma_semaphore, #tpu.memory_space<semaphore_mem>>)
      %dma_wait3A_269 = arith.constant 0 : i32
      %dma_wait3A_270 = arith.constant 2 : i32
      %dma_wait3A_271 = arith.constant 0 : i32
      %dma_wait3A_272 = arith.constant 0 : i32
      %dma_wait3A_273 = tpu.memref_slice %arg6[%dma_wait3A_270, %dma_wait3A_271, %dma_wait3A_272] : memref<4x128x128xf32, #tpu.memory_space<vmem>> -> memref<1x128x128xf32, #tpu.memory_space<vmem>>
      %dma_wait3A_274 = tpu.memref_squeeze %dma_wait3A_273 : memref<1x128x128xf32, #tpu.memory_space<vmem>> -> memref<128x128xf32, #tpu.memory_space<vmem>>
      %dma_wait3A_275 = arith.constant 256 : i32
      %dma_wait3A_276 = tpu.memref_slice %arg5[%dma_wait3A_269, %dma_wait3A_275] : memref<2x512xi32, #tpu.memory_space<vmem>> -> memref<1x128xi32, #tpu.memory_space<vmem>>
      %dma_wait3A_277 = tpu.memref_squeeze %dma_wait3A_276 : memref<1x128xi32, #tpu.memory_space<vmem>> -> memref<128xi32, #tpu.memory_space<vmem>>
      %dma_wait3A_278 = arith.constant 0 : i32
      %dma_wait3A_279 = arith.constant 0 : i32
      %dma_wait3A_280 = tpu.memref_slice %arg8[%dma_wait3A_278, %dma_wait3A_279] : memref<16x128xf32, #tpu.memory_space<vmem_shared>> -> memref<16x128xf32, #tpu.memory_space<vmem_shared>>
      tpu.wait_indirect_dma semaphore(%arg11 : memref<!tpu.dma_semaphore, #tpu.memory_space<semaphore_mem>>) src(%dma_wait3A_280 : memref<16x128xf32, #tpu.memory_space<vmem_shared>>) dst(%dma_wait3A_274 : memref<128x128xf32, #tpu.memory_space<vmem>>)
      %add3A_281 = arith.constant 256 : i32
      %add3A_282 = arith.addi %add3A_105, %add3A_281 : i32
      %dma_start3A_283 = arith.constant 2 : i32
      %dma_start3A_284 = arith.constant 0 : i32
      %dma_start3A_285 = arith.constant 0 : i32
      %dma_start3A_286 = tpu.memref_slice %arg6[%dma_start3A_283, %dma_start3A_284, %dma_start3A_285] : memref<4x128x128xf32, #tpu.memory_space<vmem>> -> memref<1x128x128xf32, #tpu.memory_space<vmem>>
      %dma_start3A_287 = tpu.memref_squeeze %dma_start3A_286 : memref<1x128x128xf32, #tpu.memory_space<vmem>> -> memref<128x128xf32, #tpu.memory_space<vmem>>
      %dma_start3A_288 = arith.constant 0 : i32
      %dma_start3A_289 = tpu.memref_slice %arg4[%add3A_282, %dma_start3A_288] : memref<3276800x128xf32, #tpu.memory_space<hbm>> -> memref<128x128xf32, #tpu.memory_space<hbm>>
      %dma_start3A_290 = arith.constant 0 : i32
      %dma_start3A_291 = tpu.memref_slice %arg4[%add3A_282, %dma_start3A_290] : memref<3276800x128xf32, #tpu.memory_space<hbm>> -> memref<128x128xf32, #tpu.memory_space<hbm>>
      %dma_start3A_292 = arith.constant 0 : i32
      %dma_start3A_293 = arith.constant 0 : i32
      %dma_start3A_294 = tpu.memref_slice %arg6[%dma_start3A_283, %dma_start3A_292, %dma_start3A_293] : memref<4x128x128xf32, #tpu.memory_space<vmem>> -> memref<1x128x128xf32, #tpu.memory_space<vmem>>
      %dma_start3A_295 = tpu.memref_squeeze %dma_start3A_294 : memref<1x128x128xf32, #tpu.memory_space<vmem>> -> memref<128x128xf32, #tpu.memory_space<vmem>>
      tpu.enqueue_dma source(%dma_start3A_295 : memref<128x128xf32, #tpu.memory_space<vmem>>) target(%dma_start3A_291 : memref<128x128xf32, #tpu.memory_space<hbm>>) target_semaphore(%arg15 : memref<!tpu.dma_semaphore, #tpu.memory_space<semaphore_mem>>)
      %dma_wait3A_296 = arith.constant 0 : i32
      %dma_wait3A_297 = arith.constant 3 : i32
      %dma_wait3A_298 = arith.constant 0 : i32
      %dma_wait3A_299 = arith.constant 0 : i32
      %dma_wait3A_300 = tpu.memref_slice %arg6[%dma_wait3A_297, %dma_wait3A_298, %dma_wait3A_299] : memref<4x128x128xf32, #tpu.memory_space<vmem>> -> memref<1x128x128xf32, #tpu.memory_space<vmem>>
      %dma_wait3A_301 = tpu.memref_squeeze %dma_wait3A_300 : memref<1x128x128xf32, #tpu.memory_space<vmem>> -> memref<128x128xf32, #tpu.memory_space<vmem>>
      %dma_wait3A_302 = arith.constant 384 : i32
      %dma_wait3A_303 = tpu.memref_slice %arg5[%dma_wait3A_296, %dma_wait3A_302] : memref<2x512xi32, #tpu.memory_space<vmem>> -> memref<1x128xi32, #tpu.memory_space<vmem>>
      %dma_wait3A_304 = tpu.memref_squeeze %dma_wait3A_303 : memref<1x128xi32, #tpu.memory_space<vmem>> -> memref<128xi32, #tpu.memory_space<vmem>>
      %dma_wait3A_305 = arith.constant 0 : i32
      %dma_wait3A_306 = arith.constant 0 : i32
      %dma_wait3A_307 = tpu.memref_slice %arg8[%dma_wait3A_305, %dma_wait3A_306] : memref<16x128xf32, #tpu.memory_space<vmem_shared>> -> memref<16x128xf32, #tpu.memory_space<vmem_shared>>
      tpu.wait_indirect_dma semaphore(%arg12 : memref<!tpu.dma_semaphore, #tpu.memory_space<semaphore_mem>>) src(%dma_wait3A_307 : memref<16x128xf32, #tpu.memory_space<vmem_shared>>) dst(%dma_wait3A_301 : memref<128x128xf32, #tpu.memory_space<vmem>>)
      %add3A_308 = arith.constant 384 : i32
      %add3A_309 = arith.addi %add3A_105, %add3A_308 : i32
      %dma_start3A_310 = arith.constant 3 : i32
      %dma_start3A_311 = arith.constant 0 : i32
      %dma_start3A_312 = arith.constant 0 : i32
      %dma_start3A_313 = tpu.memref_slice %arg6[%dma_start3A_310, %dma_start3A_311, %dma_start3A_312] : memref<4x128x128xf32, #tpu.memory_space<vmem>> -> memref<1x128x128xf32, #tpu.memory_space<vmem>>
      %dma_start3A_314 = tpu.memref_squeeze %dma_start3A_313 : memref<1x128x128xf32, #tpu.memory_space<vmem>> -> memref<128x128xf32, #tpu.memory_space<vmem>>
      %dma_start3A_315 = arith.constant 0 : i32
      %dma_start3A_316 = tpu.memref_slice %arg4[%add3A_309, %dma_start3A_315] : memref<3276800x128xf32, #tpu.memory_space<hbm>> -> memref<128x128xf32, #tpu.memory_space<hbm>>
      %dma_start3A_317 = arith.constant 0 : i32
      %dma_start3A_318 = tpu.memref_slice %arg4[%add3A_309, %dma_start3A_317] : memref<3276800x128xf32, #tpu.memory_space<hbm>> -> memref<128x128xf32, #tpu.memory_space<hbm>>
      %dma_start3A_319 = arith.constant 0 : i32
      %dma_start3A_320 = arith.constant 0 : i32
      %dma_start3A_321 = tpu.memref_slice %arg6[%dma_start3A_310, %dma_start3A_319, %dma_start3A_320] : memref<4x128x128xf32, #tpu.memory_space<vmem>> -> memref<1x128x128xf32, #tpu.memory_space<vmem>>
      %dma_start3A_322 = tpu.memref_squeeze %dma_start3A_321 : memref<1x128x128xf32, #tpu.memory_space<vmem>> -> memref<128x128xf32, #tpu.memory_space<vmem>>
      tpu.enqueue_dma source(%dma_start3A_322 : memref<128x128xf32, #tpu.memory_space<vmem>>) target(%dma_start3A_318 : memref<128x128xf32, #tpu.memory_space<hbm>>) target_semaphore(%arg16 : memref<!tpu.dma_semaphore, #tpu.memory_space<semaphore_mem>>)
      %mul3A_323 = arith.constant 2 : i32
      %mul3A_324 = arith.muli %mul3A_323, %scan3A_98 : i32
      %add3A_325 = arith.constant 1 : i32
      %add3A_326 = arith.addi %mul3A_324, %add3A_325 : i32
      %mul3A_327 = arith.constant 512 : i32
      %mul3A_328 = arith.muli %add3A_326, %mul3A_327 : i32
      %add3A_329 = arith.addi %mul3A_2, %mul3A_328 : i32
      %mul3A_330 = arith.constant 512 : i32
      %mul3A_331 = arith.muli %add3A_326, %mul3A_330 : i32
      %add3A_332 = arith.addi %mul3A_2, %mul3A_331 : i32
      %dma_wait3A_333 = arith.constant 1 : i32
      %dma_wait3A_334 = arith.constant 0 : i32
      %dma_wait3A_335 = tpu.memref_slice %arg5[%dma_wait3A_333, %dma_wait3A_334] : memref<2x512xi32, #tpu.memory_space<vmem>> -> memref<1x512xi32, #tpu.memory_space<vmem>>
      %dma_wait3A_336 = tpu.memref_squeeze %dma_wait3A_335 : memref<1x512xi32, #tpu.memory_space<vmem>> -> memref<512xi32, #tpu.memory_space<vmem>>
      %dma_wait3A_337 = tpu.memref_slice %arg2[%add3A_332] : memref<3276800xi32, #tpu.memory_space<hbm>> -> memref<512xi32, #tpu.memory_space<hbm>>
      %dma_wait3A_338 = arith.constant 0 : i32
      %dma_wait3A_339 = tpu.memref_slice %arg5[%dma_wait3A_333, %dma_wait3A_338] : memref<2x512xi32, #tpu.memory_space<vmem>> -> memref<1x512xi32, #tpu.memory_space<vmem>>
      %dma_wait3A_340 = tpu.memref_squeeze %dma_wait3A_339 : memref<1x512xi32, #tpu.memory_space<vmem>> -> memref<512xi32, #tpu.memory_space<vmem>>
      %dma_wait3A_341 = tpu.memref_slice %arg2[%add3A_332] : memref<3276800xi32, #tpu.memory_space<hbm>> -> memref<512xi32, #tpu.memory_space<hbm>>
      tpu.wait_dma2 semaphore(%arg18 : memref<!tpu.dma_semaphore, #tpu.memory_space<semaphore_mem>>) src(%dma_wait3A_341 : memref<512xi32, #tpu.memory_space<hbm>>) dst(%dma_wait3A_340 : memref<512xi32, #tpu.memory_space<vmem>>)
      %add3A_342 = arith.constant 1 : i32
      %add3A_343 = arith.addi %add3A_326, %add3A_342 : i32
      %min3A_344 = arith.constant 199 : i32
      %min3A_345 = arith.minsi %add3A_343, %min3A_344 : i32
      %mul3A_346 = arith.constant 512 : i32
      %mul3A_347 = arith.muli %min3A_345, %mul3A_346 : i32
      %add3A_348 = arith.addi %mul3A_2, %mul3A_347 : i32
      %dma_start3A_349 = arith.constant 0 : i32
      %dma_start3A_350 = arith.constant 0 : i32
      %dma_start3A_351 = tpu.memref_slice %arg5[%dma_start3A_349, %dma_start3A_350] : memref<2x512xi32, #tpu.memory_space<vmem>> -> memref<1x512xi32, #tpu.memory_space<vmem>>
      %dma_start3A_352 = tpu.memref_squeeze %dma_start3A_351 : memref<1x512xi32, #tpu.memory_space<vmem>> -> memref<512xi32, #tpu.memory_space<vmem>>
      %dma_start3A_353 = tpu.memref_slice %arg2[%add3A_348] : memref<3276800xi32, #tpu.memory_space<hbm>> -> memref<512xi32, #tpu.memory_space<hbm>>
      %dma_start3A_354 = arith.constant 0 : i32
      %dma_start3A_355 = tpu.memref_slice %arg5[%dma_start3A_349, %dma_start3A_354] : memref<2x512xi32, #tpu.memory_space<vmem>> -> memref<1x512xi32, #tpu.memory_space<vmem>>
      %dma_start3A_356 = tpu.memref_squeeze %dma_start3A_355 : memref<1x512xi32, #tpu.memory_space<vmem>> -> memref<512xi32, #tpu.memory_space<vmem>>
      %dma_start3A_357 = tpu.memref_slice %arg2[%add3A_348] : memref<3276800xi32, #tpu.memory_space<hbm>> -> memref<512xi32, #tpu.memory_space<hbm>>
      tpu.enqueue_dma source(%dma_start3A_357 : memref<512xi32, #tpu.memory_space<hbm>>) target(%dma_start3A_356 : memref<512xi32, #tpu.memory_space<vmem>>) target_semaphore(%arg17 : memref<!tpu.dma_semaphore, #tpu.memory_space<semaphore_mem>>)
      %sub3A_358 = arith.constant 512 : i32
      %sub3A_359 = arith.subi %add3A_329, %sub3A_358 : i32
      %add3A_360 = arith.constant 0 : i32
      %add3A_361 = arith.addi %sub3A_359, %add3A_360 : i32
      %dma_wait3A_362 = arith.constant 0 : i32
      %dma_wait3A_363 = arith.constant 0 : i32
      %dma_wait3A_364 = arith.constant 0 : i32
      %dma_wait3A_365 = tpu.memref_slice %arg6[%dma_wait3A_362, %dma_wait3A_363, %dma_wait3A_364] : memref<4x128x128xf32, #tpu.memory_space<vmem>> -> memref<1x128x128xf32, #tpu.memory_space<vmem>>
      %dma_wait3A_366 = tpu.memref_squeeze %dma_wait3A_365 : memref<1x128x128xf32, #tpu.memory_space<vmem>> -> memref<128x128xf32, #tpu.memory_space<vmem>>
      %dma_wait3A_367 = arith.constant 0 : i32
      %dma_wait3A_368 = tpu.memref_slice %arg4[%add3A_361, %dma_wait3A_367] : memref<3276800x128xf32, #tpu.memory_space<hbm>> -> memref<128x128xf32, #tpu.memory_space<hbm>>
      %dma_wait3A_369 = arith.constant 0 : i32
      %dma_wait3A_370 = tpu.memref_slice %arg4[%add3A_361, %dma_wait3A_369] : memref<3276800x128xf32, #tpu.memory_space<hbm>> -> memref<128x128xf32, #tpu.memory_space<hbm>>
      %dma_wait3A_371 = arith.constant 0 : i32
      %dma_wait3A_372 = arith.constant 0 : i32
      %dma_wait3A_373 = tpu.memref_slice %arg6[%dma_wait3A_362, %dma_wait3A_371, %dma_wait3A_372] : memref<4x128x128xf32, #tpu.memory_space<vmem>> -> memref<1x128x128xf32, #tpu.memory_space<vmem>>
      %dma_wait3A_374 = tpu.memref_squeeze %dma_wait3A_373 : memref<1x128x128xf32, #tpu.memory_space<vmem>> -> memref<128x128xf32, #tpu.memory_space<vmem>>
      tpu.wait_dma2 semaphore(%arg13 : memref<!tpu.dma_semaphore, #tpu.memory_space<semaphore_mem>>) src(%dma_wait3A_374 : memref<128x128xf32, #tpu.memory_space<vmem>>) dst(%dma_wait3A_370 : memref<128x128xf32, #tpu.memory_space<hbm>>)
      %dma_start3A_375 = arith.constant 1 : i32
      %dma_start3A_376 = arith.constant 0 : i32
      %dma_start3A_377 = arith.constant 0 : i32
      %dma_start3A_378 = arith.constant 0 : i32
      %dma_start3A_379 = tpu.memref_slice %arg6[%dma_start3A_376, %dma_start3A_377, %dma_start3A_378] : memref<4x128x128xf32, #tpu.memory_space<vmem>> -> memref<1x128x128xf32, #tpu.memory_space<vmem>>
      %dma_start3A_380 = tpu.memref_squeeze %dma_start3A_379 : memref<1x128x128xf32, #tpu.memory_space<vmem>> -> memref<128x128xf32, #tpu.memory_space<vmem>>
      %dma_start3A_381 = arith.constant 0 : i32
      %dma_start3A_382 = tpu.memref_slice %arg5[%dma_start3A_375, %dma_start3A_381] : memref<2x512xi32, #tpu.memory_space<vmem>> -> memref<1x128xi32, #tpu.memory_space<vmem>>
      %dma_start3A_383 = tpu.memref_squeeze %dma_start3A_382 : memref<1x128xi32, #tpu.memory_space<vmem>> -> memref<128xi32, #tpu.memory_space<vmem>>
      %dma_start3A_384 = arith.constant 0 : i32
      %dma_start3A_385 = arith.constant 0 : i32
      %dma_start3A_386 = tpu.memref_slice %arg8[%dma_start3A_384, %dma_start3A_385] : memref<16x128xf32, #tpu.memory_space<vmem_shared>> -> memref<16x128xf32, #tpu.memory_space<vmem_shared>>
      tpu.enqueue_indirect_dma source(%dma_start3A_386 : memref<16x128xf32, #tpu.memory_space<vmem_shared>>) target(%dma_start3A_380 : memref<128x128xf32, #tpu.memory_space<vmem>>) offsets(%dma_start3A_383 : memref<128xi32, #tpu.memory_space<vmem>>) semaphore(%arg9 : memref<!tpu.dma_semaphore, #tpu.memory_space<semaphore_mem>>)
      %sub3A_387 = arith.constant 512 : i32
      %sub3A_388 = arith.subi %add3A_329, %sub3A_387 : i32
      %add3A_389 = arith.constant 128 : i32
      %add3A_390 = arith.addi %sub3A_388, %add3A_389 : i32
      %dma_wait3A_391 = arith.constant 1 : i32
      %dma_wait3A_392 = arith.constant 0 : i32
      %dma_wait3A_393 = arith.constant 0 : i32
      %dma_wait3A_394 = tpu.memref_slice %arg6[%dma_wait3A_391, %dma_wait3A_392, %dma_wait3A_393] : memref<4x128x128xf32, #tpu.memory_space<vmem>> -> memref<1x128x128xf32, #tpu.memory_space<vmem>>
      %dma_wait3A_395 = tpu.memref_squeeze %dma_wait3A_394 : memref<1x128x128xf32, #tpu.memory_space<vmem>> -> memref<128x128xf32, #tpu.memory_space<vmem>>
      %dma_wait3A_396 = arith.constant 0 : i32
      %dma_wait3A_397 = tpu.memref_slice %arg4[%add3A_390, %dma_wait3A_396] : memref<3276800x128xf32, #tpu.memory_space<hbm>> -> memref<128x128xf32, #tpu.memory_space<hbm>>
      %dma_wait3A_398 = arith.constant 0 : i32
      %dma_wait3A_399 = tpu.memref_slice %arg4[%add3A_390, %dma_wait3A_398] : memref<3276800x128xf32, #tpu.memory_space<hbm>> -> memref<128x128xf32, #tpu.memory_space<hbm>>
      %dma_wait3A_400 = arith.constant 0 : i32
      %dma_wait3A_401 = arith.constant 0 : i32
      %dma_wait3A_402 = tpu.memref_slice %arg6[%dma_wait3A_391, %dma_wait3A_400, %dma_wait3A_401] : memref<4x128x128xf32, #tpu.memory_space<vmem>> -> memref<1x128x128xf32, #tpu.memory_space<vmem>>
      %dma_wait3A_403 = tpu.memref_squeeze %dma_wait3A_402 : memref<1x128x128xf32, #tpu.memory_space<vmem>> -> memref<128x128xf32, #tpu.memory_space<vmem>>
      tpu.wait_dma2 semaphore(%arg14 : memref<!tpu.dma_semaphore, #tpu.memory_space<semaphore_mem>>) src(%dma_wait3A_403 : memref<128x128xf32, #tpu.memory_space<vmem>>) dst(%dma_wait3A_399 : memref<128x128xf32, #tpu.memory_space<hbm>>)
      %dma_start3A_404 = arith.constant 1 : i32
      %dma_start3A_405 = arith.constant 1 : i32
      %dma_start3A_406 = arith.constant 0 : i32
      %dma_start3A_407 = arith.constant 0 : i32
      %dma_start3A_408 = tpu.memref_slice %arg6[%dma_start3A_405, %dma_start3A_406, %dma_start3A_407] : memref<4x128x128xf32, #tpu.memory_space<vmem>> -> memref<1x128x128xf32, #tpu.memory_space<vmem>>
      %dma_start3A_409 = tpu.memref_squeeze %dma_start3A_408 : memref<1x128x128xf32, #tpu.memory_space<vmem>> -> memref<128x128xf32, #tpu.memory_space<vmem>>
      %dma_start3A_410 = arith.constant 128 : i32
      %dma_start3A_411 = tpu.memref_slice %arg5[%dma_start3A_404, %dma_start3A_410] : memref<2x512xi32, #tpu.memory_space<vmem>> -> memref<1x128xi32, #tpu.memory_space<vmem>>
      %dma_start3A_412 = tpu.memref_squeeze %dma_start3A_411 : memref<1x128xi32, #tpu.memory_space<vmem>> -> memref<128xi32, #tpu.memory_space<vmem>>
      %dma_start3A_413 = arith.constant 0 : i32
      %dma_start3A_414 = arith.constant 0 : i32
      %dma_start3A_415 = tpu.memref_slice %arg8[%dma_start3A_413, %dma_start3A_414] : memref<16x128xf32, #tpu.memory_space<vmem_shared>> -> memref<16x128xf32, #tpu.memory_space<vmem_shared>>
      tpu.enqueue_indirect_dma source(%dma_start3A_415 : memref<16x128xf32, #tpu.memory_space<vmem_shared>>) target(%dma_start3A_409 : memref<128x128xf32, #tpu.memory_space<vmem>>) offsets(%dma_start3A_412 : memref<128xi32, #tpu.memory_space<vmem>>) semaphore(%arg10 : memref<!tpu.dma_semaphore, #tpu.memory_space<semaphore_mem>>)
      %sub3A_416 = arith.constant 512 : i32
      %sub3A_417 = arith.subi %add3A_329, %sub3A_416 : i32
      %add3A_418 = arith.constant 256 : i32
      %add3A_419 = arith.addi %sub3A_417, %add3A_418 : i32
      %dma_wait3A_420 = arith.constant 2 : i32
      %dma_wait3A_421 = arith.constant 0 : i32
      %dma_wait3A_422 = arith.constant 0 : i32
      %dma_wait3A_423 = tpu.memref_slice %arg6[%dma_wait3A_420, %dma_wait3A_421, %dma_wait3A_422] : memref<4x128x128xf32, #tpu.memory_space<vmem>> -> memref<1x128x128xf32, #tpu.memory_space<vmem>>
      %dma_wait3A_424 = tpu.memref_squeeze %dma_wait3A_423 : memref<1x128x128xf32, #tpu.memory_space<vmem>> -> memref<128x128xf32, #tpu.memory_space<vmem>>
      %dma_wait3A_425 = arith.constant 0 : i32
      %dma_wait3A_426 = tpu.memref_slice %arg4[%add3A_419, %dma_wait3A_425] : memref<3276800x128xf32, #tpu.memory_space<hbm>> -> memref<128x128xf32, #tpu.memory_space<hbm>>
      %dma_wait3A_427 = arith.constant 0 : i32
      %dma_wait3A_428 = tpu.memref_slice %arg4[%add3A_419, %dma_wait3A_427] : memref<3276800x128xf32, #tpu.memory_space<hbm>> -> memref<128x128xf32, #tpu.memory_space<hbm>>
      %dma_wait3A_429 = arith.constant 0 : i32
      %dma_wait3A_430 = arith.constant 0 : i32
      %dma_wait3A_431 = tpu.memref_slice %arg6[%dma_wait3A_420, %dma_wait3A_429, %dma_wait3A_430] : memref<4x128x128xf32, #tpu.memory_space<vmem>> -> memref<1x128x128xf32, #tpu.memory_space<vmem>>
      %dma_wait3A_432 = tpu.memref_squeeze %dma_wait3A_431 : memref<1x128x128xf32, #tpu.memory_space<vmem>> -> memref<128x128xf32, #tpu.memory_space<vmem>>
      tpu.wait_dma2 semaphore(%arg15 : memref<!tpu.dma_semaphore, #tpu.memory_space<semaphore_mem>>) src(%dma_wait3A_432 : memref<128x128xf32, #tpu.memory_space<vmem>>) dst(%dma_wait3A_428 : memref<128x128xf32, #tpu.memory_space<hbm>>)
      %dma_start3A_433 = arith.constant 1 : i32
      %dma_start3A_434 = arith.constant 2 : i32
      %dma_start3A_435 = arith.constant 0 : i32
      %dma_start3A_436 = arith.constant 0 : i32
      %dma_start3A_437 = tpu.memref_slice %arg6[%dma_start3A_434, %dma_start3A_435, %dma_start3A_436] : memref<4x128x128xf32, #tpu.memory_space<vmem>> -> memref<1x128x128xf32, #tpu.memory_space<vmem>>
      %dma_start3A_438 = tpu.memref_squeeze %dma_start3A_437 : memref<1x128x128xf32, #tpu.memory_space<vmem>> -> memref<128x128xf32, #tpu.memory_space<vmem>>
      %dma_start3A_439 = arith.constant 256 : i32
      %dma_start3A_440 = tpu.memref_slice %arg5[%dma_start3A_433, %dma_start3A_439] : memref<2x512xi32, #tpu.memory_space<vmem>> -> memref<1x128xi32, #tpu.memory_space<vmem>>
      %dma_start3A_441 = tpu.memref_squeeze %dma_start3A_440 : memref<1x128xi32, #tpu.memory_space<vmem>> -> memref<128xi32, #tpu.memory_space<vmem>>
      %dma_start3A_442 = arith.constant 0 : i32
      %dma_start3A_443 = arith.constant 0 : i32
      %dma_start3A_444 = tpu.memref_slice %arg8[%dma_start3A_442, %dma_start3A_443] : memref<16x128xf32, #tpu.memory_space<vmem_shared>> -> memref<16x128xf32, #tpu.memory_space<vmem_shared>>
      tpu.enqueue_indirect_dma source(%dma_start3A_444 : memref<16x128xf32, #tpu.memory_space<vmem_shared>>) target(%dma_start3A_438 : memref<128x128xf32, #tpu.memory_space<vmem>>) offsets(%dma_start3A_441 : memref<128xi32, #tpu.memory_space<vmem>>) semaphore(%arg11 : memref<!tpu.dma_semaphore, #tpu.memory_space<semaphore_mem>>)
      %sub3A_445 = arith.constant 512 : i32
      %sub3A_446 = arith.subi %add3A_329, %sub3A_445 : i32
      %add3A_447 = arith.constant 384 : i32
      %add3A_448 = arith.addi %sub3A_446, %add3A_447 : i32
      %dma_wait3A_449 = arith.constant 3 : i32
      %dma_wait3A_450 = arith.constant 0 : i32
      %dma_wait3A_451 = arith.constant 0 : i32
      %dma_wait3A_452 = tpu.memref_slice %arg6[%dma_wait3A_449, %dma_wait3A_450, %dma_wait3A_451] : memref<4x128x128xf32, #tpu.memory_space<vmem>> -> memref<1x128x128xf32, #tpu.memory_space<vmem>>
      %dma_wait3A_453 = tpu.memref_squeeze %dma_wait3A_452 : memref<1x128x128xf32, #tpu.memory_space<vmem>> -> memref<128x128xf32, #tpu.memory_space<vmem>>
      %dma_wait3A_454 = arith.constant 0 : i32
      %dma_wait3A_455 = tpu.memref_slice %arg4[%add3A_448, %dma_wait3A_454] : memref<3276800x128xf32, #tpu.memory_space<hbm>> -> memref<128x128xf32, #tpu.memory_space<hbm>>
      %dma_wait3A_456 = arith.constant 0 : i32
      %dma_wait3A_457 = tpu.memref_slice %arg4[%add3A_448, %dma_wait3A_456] : memref<3276800x128xf32, #tpu.memory_space<hbm>> -> memref<128x128xf32, #tpu.memory_space<hbm>>
      %dma_wait3A_458 = arith.constant 0 : i32
      %dma_wait3A_459 = arith.constant 0 : i32
      %dma_wait3A_460 = tpu.memref_slice %arg6[%dma_wait3A_449, %dma_wait3A_458, %dma_wait3A_459] : memref<4x128x128xf32, #tpu.memory_space<vmem>> -> memref<1x128x128xf32, #tpu.memory_space<vmem>>
      %dma_wait3A_461 = tpu.memref_squeeze %dma_wait3A_460 : memref<1x128x128xf32, #tpu.memory_space<vmem>> -> memref<128x128xf32, #tpu.memory_space<vmem>>
      tpu.wait_dma2 semaphore(%arg16 : memref<!tpu.dma_semaphore, #tpu.memory_space<semaphore_mem>>) src(%dma_wait3A_461 : memref<128x128xf32, #tpu.memory_space<vmem>>) dst(%dma_wait3A_457 : memref<128x128xf32, #tpu.memory_space<hbm>>)
      %dma_start3A_462 = arith.constant 1 : i32
      %dma_start3A_463 = arith.constant 3 : i32
      %dma_start3A_464 = arith.constant 0 : i32
      %dma_start3A_465 = arith.constant 0 : i32
      %dma_start3A_466 = tpu.memref_slice %arg6[%dma_start3A_463, %dma_start3A_464, %dma_start3A_465] : memref<4x128x128xf32, #tpu.memory_space<vmem>> -> memref<1x128x128xf32, #tpu.memory_space<vmem>>
      %dma_start3A_467 = tpu.memref_squeeze %dma_start3A_466 : memref<1x128x128xf32, #tpu.memory_space<vmem>> -> memref<128x128xf32, #tpu.memory_space<vmem>>
      %dma_start3A_468 = arith.constant 384 : i32
      %dma_start3A_469 = tpu.memref_slice %arg5[%dma_start3A_462, %dma_start3A_468] : memref<2x512xi32, #tpu.memory_space<vmem>> -> memref<1x128xi32, #tpu.memory_space<vmem>>
      %dma_start3A_470 = tpu.memref_squeeze %dma_start3A_469 : memref<1x128xi32, #tpu.memory_space<vmem>> -> memref<128xi32, #tpu.memory_space<vmem>>
      %dma_start3A_471 = arith.constant 0 : i32
      %dma_start3A_472 = arith.constant 0 : i32
      %dma_start3A_473 = tpu.memref_slice %arg8[%dma_start3A_471, %dma_start3A_472] : memref<16x128xf32, #tpu.memory_space<vmem_shared>> -> memref<16x128xf32, #tpu.memory_space<vmem_shared>>
      tpu.enqueue_indirect_dma source(%dma_start3A_473 : memref<16x128xf32, #tpu.memory_space<vmem_shared>>) target(%dma_start3A_467 : memref<128x128xf32, #tpu.memory_space<vmem>>) offsets(%dma_start3A_470 : memref<128xi32, #tpu.memory_space<vmem>>) semaphore(%arg12 : memref<!tpu.dma_semaphore, #tpu.memory_space<semaphore_mem>>)
      %dma_wait3A_474 = arith.constant 1 : i32
      %dma_wait3A_475 = arith.constant 0 : i32
      %dma_wait3A_476 = arith.constant 0 : i32
      %dma_wait3A_477 = arith.constant 0 : i32
      %dma_wait3A_478 = tpu.memref_slice %arg6[%dma_wait3A_475, %dma_wait3A_476, %dma_wait3A_477] : memref<4x128x128xf32, #tpu.memory_space<vmem>> -> memref<1x128x128xf32, #tpu.memory_space<vmem>>
      %dma_wait3A_479 = tpu.memref_squeeze %dma_wait3A_478 : memref<1x128x128xf32, #tpu.memory_space<vmem>> -> memref<128x128xf32, #tpu.memory_space<vmem>>
      %dma_wait3A_480 = arith.constant 0 : i32
      %dma_wait3A_481 = tpu.memref_slice %arg5[%dma_wait3A_474, %dma_wait3A_480] : memref<2x512xi32, #tpu.memory_space<vmem>> -> memref<1x128xi32, #tpu.memory_space<vmem>>
      %dma_wait3A_482 = tpu.memref_squeeze %dma_wait3A_481 : memref<1x128xi32, #tpu.memory_space<vmem>> -> memref<128xi32, #tpu.memory_space<vmem>>
      %dma_wait3A_483 = arith.constant 0 : i32
      %dma_wait3A_484 = arith.constant 0 : i32
      %dma_wait3A_485 = tpu.memref_slice %arg8[%dma_wait3A_483, %dma_wait3A_484] : memref<16x128xf32, #tpu.memory_space<vmem_shared>> -> memref<16x128xf32, #tpu.memory_space<vmem_shared>>
      tpu.wait_indirect_dma semaphore(%arg9 : memref<!tpu.dma_semaphore, #tpu.memory_space<semaphore_mem>>) src(%dma_wait3A_485 : memref<16x128xf32, #tpu.memory_space<vmem_shared>>) dst(%dma_wait3A_479 : memref<128x128xf32, #tpu.memory_space<vmem>>)
      %add3A_486 = arith.constant 0 : i32
      %add3A_487 = arith.addi %add3A_329, %add3A_486 : i32
      %dma_start3A_488 = arith.constant 0 : i32
      %dma_start3A_489 = arith.constant 0 : i32
      %dma_start3A_490 = arith.constant 0 : i32
      %dma_start3A_491 = tpu.memref_slice %arg6[%dma_start3A_488, %dma_start3A_489, %dma_start3A_490] : memref<4x128x128xf32, #tpu.memory_space<vmem>> -> memref<1x128x128xf32, #tpu.memory_space<vmem>>
      %dma_start3A_492 = tpu.memref_squeeze %dma_start3A_491 : memref<1x128x128xf32, #tpu.memory_space<vmem>> -> memref<128x128xf32, #tpu.memory_space<vmem>>
      %dma_start3A_493 = arith.constant 0 : i32
      %dma_start3A_494 = tpu.memref_slice %arg4[%add3A_487, %dma_start3A_493] : memref<3276800x128xf32, #tpu.memory_space<hbm>> -> memref<128x128xf32, #tpu.memory_space<hbm>>
      %dma_start3A_495 = arith.constant 0 : i32
      %dma_start3A_496 = tpu.memref_slice %arg4[%add3A_487, %dma_start3A_495] : memref<3276800x128xf32, #tpu.memory_space<hbm>> -> memref<128x128xf32, #tpu.memory_space<hbm>>
      %dma_start3A_497 = arith.constant 0 : i32
      %dma_start3A_498 = arith.constant 0 : i32
      %dma_start3A_499 = tpu.memref_slice %arg6[%dma_start3A_488, %dma_start3A_497, %dma_start3A_498] : memref<4x128x128xf32, #tpu.memory_space<vmem>> -> memref<1x128x128xf32, #tpu.memory_space<vmem>>
      %dma_start3A_500 = tpu.memref_squeeze %dma_start3A_499 : memref<1x128x128xf32, #tpu.memory_space<vmem>> -> memref<128x128xf32, #tpu.memory_space<vmem>>
      tpu.enqueue_dma source(%dma_start3A_500 : memref<128x128xf32, #tpu.memory_space<vmem>>) target(%dma_start3A_496 : memref<128x128xf32, #tpu.memory_space<hbm>>) target_semaphore(%arg13 : memref<!tpu.dma_semaphore, #tpu.memory_space<semaphore_mem>>)
      %dma_wait3A_501 = arith.constant 1 : i32
      %dma_wait3A_502 = arith.constant 1 : i32
      %dma_wait3A_503 = arith.constant 0 : i32
      %dma_wait3A_504 = arith.constant 0 : i32
      %dma_wait3A_505 = tpu.memref_slice %arg6[%dma_wait3A_502, %dma_wait3A_503, %dma_wait3A_504] : memref<4x128x128xf32, #tpu.memory_space<vmem>> -> memref<1x128x128xf32, #tpu.memory_space<vmem>>
      %dma_wait3A_506 = tpu.memref_squeeze %dma_wait3A_505 : memref<1x128x128xf32, #tpu.memory_space<vmem>> -> memref<128x128xf32, #tpu.memory_space<vmem>>
      %dma_wait3A_507 = arith.constant 128 : i32
      %dma_wait3A_508 = tpu.memref_slice %arg5[%dma_wait3A_501, %dma_wait3A_507] : memref<2x512xi32, #tpu.memory_space<vmem>> -> memref<1x128xi32, #tpu.memory_space<vmem>>
      %dma_wait3A_509 = tpu.memref_squeeze %dma_wait3A_508 : memref<1x128xi32, #tpu.memory_space<vmem>> -> memref<128xi32, #tpu.memory_space<vmem>>
      %dma_wait3A_510 = arith.constant 0 : i32
      %dma_wait3A_511 = arith.constant 0 : i32
      %dma_wait3A_512 = tpu.memref_slice %arg8[%dma_wait3A_510, %dma_wait3A_511] : memref<16x128xf32, #tpu.memory_space<vmem_shared>> -> memref<16x128xf32, #tpu.memory_space<vmem_shared>>
      tpu.wait_indirect_dma semaphore(%arg10 : memref<!tpu.dma_semaphore, #tpu.memory_space<semaphore_mem>>) src(%dma_wait3A_512 : memref<16x128xf32, #tpu.memory_space<vmem_shared>>) dst(%dma_wait3A_506 : memref<128x128xf32, #tpu.memory_space<vmem>>)
      %add3A_513 = arith.constant 128 : i32
      %add3A_514 = arith.addi %add3A_329, %add3A_513 : i32
      %dma_start3A_515 = arith.constant 1 : i32
      %dma_start3A_516 = arith.constant 0 : i32
      %dma_start3A_517 = arith.constant 0 : i32
      %dma_start3A_518 = tpu.memref_slice %arg6[%dma_start3A_515, %dma_start3A_516, %dma_start3A_517] : memref<4x128x128xf32, #tpu.memory_space<vmem>> -> memref<1x128x128xf32, #tpu.memory_space<vmem>>
      %dma_start3A_519 = tpu.memref_squeeze %dma_start3A_518 : memref<1x128x128xf32, #tpu.memory_space<vmem>> -> memref<128x128xf32, #tpu.memory_space<vmem>>
      %dma_start3A_520 = arith.constant 0 : i32
      %dma_start3A_521 = tpu.memref_slice %arg4[%add3A_514, %dma_start3A_520] : memref<3276800x128xf32, #tpu.memory_space<hbm>> -> memref<128x128xf32, #tpu.memory_space<hbm>>
      %dma_start3A_522 = arith.constant 0 : i32
      %dma_start3A_523 = tpu.memref_slice %arg4[%add3A_514, %dma_start3A_522] : memref<3276800x128xf32, #tpu.memory_space<hbm>> -> memref<128x128xf32, #tpu.memory_space<hbm>>
      %dma_start3A_524 = arith.constant 0 : i32
      %dma_start3A_525 = arith.constant 0 : i32
      %dma_start3A_526 = tpu.memref_slice %arg6[%dma_start3A_515, %dma_start3A_524, %dma_start3A_525] : memref<4x128x128xf32, #tpu.memory_space<vmem>> -> memref<1x128x128xf32, #tpu.memory_space<vmem>>
      %dma_start3A_527 = tpu.memref_squeeze %dma_start3A_526 : memref<1x128x128xf32, #tpu.memory_space<vmem>> -> memref<128x128xf32, #tpu.memory_space<vmem>>
      tpu.enqueue_dma source(%dma_start3A_527 : memref<128x128xf32, #tpu.memory_space<vmem>>) target(%dma_start3A_523 : memref<128x128xf32, #tpu.memory_space<hbm>>) target_semaphore(%arg14 : memref<!tpu.dma_semaphore, #tpu.memory_space<semaphore_mem>>)
      %dma_wait3A_528 = arith.constant 1 : i32
      %dma_wait3A_529 = arith.constant 2 : i32
      %dma_wait3A_530 = arith.constant 0 : i32
      %dma_wait3A_531 = arith.constant 0 : i32
      %dma_wait3A_532 = tpu.memref_slice %arg6[%dma_wait3A_529, %dma_wait3A_530, %dma_wait3A_531] : memref<4x128x128xf32, #tpu.memory_space<vmem>> -> memref<1x128x128xf32, #tpu.memory_space<vmem>>
      %dma_wait3A_533 = tpu.memref_squeeze %dma_wait3A_532 : memref<1x128x128xf32, #tpu.memory_space<vmem>> -> memref<128x128xf32, #tpu.memory_space<vmem>>
      %dma_wait3A_534 = arith.constant 256 : i32
      %dma_wait3A_535 = tpu.memref_slice %arg5[%dma_wait3A_528, %dma_wait3A_534] : memref<2x512xi32, #tpu.memory_space<vmem>> -> memref<1x128xi32, #tpu.memory_space<vmem>>
      %dma_wait3A_536 = tpu.memref_squeeze %dma_wait3A_535 : memref<1x128xi32, #tpu.memory_space<vmem>> -> memref<128xi32, #tpu.memory_space<vmem>>
      %dma_wait3A_537 = arith.constant 0 : i32
      %dma_wait3A_538 = arith.constant 0 : i32
      %dma_wait3A_539 = tpu.memref_slice %arg8[%dma_wait3A_537, %dma_wait3A_538] : memref<16x128xf32, #tpu.memory_space<vmem_shared>> -> memref<16x128xf32, #tpu.memory_space<vmem_shared>>
      tpu.wait_indirect_dma semaphore(%arg11 : memref<!tpu.dma_semaphore, #tpu.memory_space<semaphore_mem>>) src(%dma_wait3A_539 : memref<16x128xf32, #tpu.memory_space<vmem_shared>>) dst(%dma_wait3A_533 : memref<128x128xf32, #tpu.memory_space<vmem>>)
      %add3A_540 = arith.constant 256 : i32
      %add3A_541 = arith.addi %add3A_329, %add3A_540 : i32
      %dma_start3A_542 = arith.constant 2 : i32
      %dma_start3A_543 = arith.constant 0 : i32
      %dma_start3A_544 = arith.constant 0 : i32
      %dma_start3A_545 = tpu.memref_slice %arg6[%dma_start3A_542, %dma_start3A_543, %dma_start3A_544] : memref<4x128x128xf32, #tpu.memory_space<vmem>> -> memref<1x128x128xf32, #tpu.memory_space<vmem>>
      %dma_start3A_546 = tpu.memref_squeeze %dma_start3A_545 : memref<1x128x128xf32, #tpu.memory_space<vmem>> -> memref<128x128xf32, #tpu.memory_space<vmem>>
      %dma_start3A_547 = arith.constant 0 : i32
      %dma_start3A_548 = tpu.memref_slice %arg4[%add3A_541, %dma_start3A_547] : memref<3276800x128xf32, #tpu.memory_space<hbm>> -> memref<128x128xf32, #tpu.memory_space<hbm>>
      %dma_start3A_549 = arith.constant 0 : i32
      %dma_start3A_550 = tpu.memref_slice %arg4[%add3A_541, %dma_start3A_549] : memref<3276800x128xf32, #tpu.memory_space<hbm>> -> memref<128x128xf32, #tpu.memory_space<hbm>>
      %dma_start3A_551 = arith.constant 0 : i32
      %dma_start3A_552 = arith.constant 0 : i32
      %dma_start3A_553 = tpu.memref_slice %arg6[%dma_start3A_542, %dma_start3A_551, %dma_start3A_552] : memref<4x128x128xf32, #tpu.memory_space<vmem>> -> memref<1x128x128xf32, #tpu.memory_space<vmem>>
      %dma_start3A_554 = tpu.memref_squeeze %dma_start3A_553 : memref<1x128x128xf32, #tpu.memory_space<vmem>> -> memref<128x128xf32, #tpu.memory_space<vmem>>
      tpu.enqueue_dma source(%dma_start3A_554 : memref<128x128xf32, #tpu.memory_space<vmem>>) target(%dma_start3A_550 : memref<128x128xf32, #tpu.memory_space<hbm>>) target_semaphore(%arg15 : memref<!tpu.dma_semaphore, #tpu.memory_space<semaphore_mem>>)
      %dma_wait3A_555 = arith.constant 1 : i32
      %dma_wait3A_556 = arith.constant 3 : i32
      %dma_wait3A_557 = arith.constant 0 : i32
      %dma_wait3A_558 = arith.constant 0 : i32
      %dma_wait3A_559 = tpu.memref_slice %arg6[%dma_wait3A_556, %dma_wait3A_557, %dma_wait3A_558] : memref<4x128x128xf32, #tpu.memory_space<vmem>> -> memref<1x128x128xf32, #tpu.memory_space<vmem>>
      %dma_wait3A_560 = tpu.memref_squeeze %dma_wait3A_559 : memref<1x128x128xf32, #tpu.memory_space<vmem>> -> memref<128x128xf32, #tpu.memory_space<vmem>>
      %dma_wait3A_561 = arith.constant 384 : i32
      %dma_wait3A_562 = tpu.memref_slice %arg5[%dma_wait3A_555, %dma_wait3A_561] : memref<2x512xi32, #tpu.memory_space<vmem>> -> memref<1x128xi32, #tpu.memory_space<vmem>>
      %dma_wait3A_563 = tpu.memref_squeeze %dma_wait3A_562 : memref<1x128xi32, #tpu.memory_space<vmem>> -> memref<128xi32, #tpu.memory_space<vmem>>
      %dma_wait3A_564 = arith.constant 0 : i32
      %dma_wait3A_565 = arith.constant 0 : i32
      %dma_wait3A_566 = tpu.memref_slice %arg8[%dma_wait3A_564, %dma_wait3A_565] : memref<16x128xf32, #tpu.memory_space<vmem_shared>> -> memref<16x128xf32, #tpu.memory_space<vmem_shared>>
      tpu.wait_indirect_dma semaphore(%arg12 : memref<!tpu.dma_semaphore, #tpu.memory_space<semaphore_mem>>) src(%dma_wait3A_566 : memref<16x128xf32, #tpu.memory_space<vmem_shared>>) dst(%dma_wait3A_560 : memref<128x128xf32, #tpu.memory_space<vmem>>)
      %add3A_567 = arith.constant 384 : i32
      %add3A_568 = arith.addi %add3A_329, %add3A_567 : i32
      %dma_start3A_569 = arith.constant 3 : i32
      %dma_start3A_570 = arith.constant 0 : i32
      %dma_start3A_571 = arith.constant 0 : i32
      %dma_start3A_572 = tpu.memref_slice %arg6[%dma_start3A_569, %dma_start3A_570, %dma_start3A_571] : memref<4x128x128xf32, #tpu.memory_space<vmem>> -> memref<1x128x128xf32, #tpu.memory_space<vmem>>
      %dma_start3A_573 = tpu.memref_squeeze %dma_start3A_572 : memref<1x128x128xf32, #tpu.memory_space<vmem>> -> memref<128x128xf32, #tpu.memory_space<vmem>>
      %dma_start3A_574 = arith.constant 0 : i32
      %dma_start3A_575 = tpu.memref_slice %arg4[%add3A_568, %dma_start3A_574] : memref<3276800x128xf32, #tpu.memory_space<hbm>> -> memref<128x128xf32, #tpu.memory_space<hbm>>
      %dma_start3A_576 = arith.constant 0 : i32
      %dma_start3A_577 = tpu.memref_slice %arg4[%add3A_568, %dma_start3A_576] : memref<3276800x128xf32, #tpu.memory_space<hbm>> -> memref<128x128xf32, #tpu.memory_space<hbm>>
      %dma_start3A_578 = arith.constant 0 : i32
      %dma_start3A_579 = arith.constant 0 : i32
      %dma_start3A_580 = tpu.memref_slice %arg6[%dma_start3A_569, %dma_start3A_578, %dma_start3A_579] : memref<4x128x128xf32, #tpu.memory_space<vmem>> -> memref<1x128x128xf32, #tpu.memory_space<vmem>>
      %dma_start3A_581 = tpu.memref_squeeze %dma_start3A_580 : memref<1x128x128xf32, #tpu.memory_space<vmem>> -> memref<128x128xf32, #tpu.memory_space<vmem>>
      tpu.enqueue_dma source(%dma_start3A_581 : memref<128x128xf32, #tpu.memory_space<vmem>>) target(%dma_start3A_577 : memref<128x128xf32, #tpu.memory_space<hbm>>) target_semaphore(%arg16 : memref<!tpu.dma_semaphore, #tpu.memory_space<semaphore_mem>>)
    }
    %scan3A_19 = arith.constant 100 : i32
    %add3A_20 = arith.constant 101888 : i32
    %add3A_21 = arith.addi %mul3A_2, %add3A_20 : i32
    %dma_wait3A = arith.constant 0 : i32
    %dma_wait3A_22 = arith.constant 0 : i32
    %dma_wait3A_23 = tpu.memref_slice %arg5[%dma_wait3A, %dma_wait3A_22] : memref<2x512xi32, #tpu.memory_space<vmem>> -> memref<1x512xi32, #tpu.memory_space<vmem>>
    %dma_wait3A_24 = tpu.memref_squeeze %dma_wait3A_23 : memref<1x512xi32, #tpu.memory_space<vmem>> -> memref<512xi32, #tpu.memory_space<vmem>>
    %dma_wait3A_25 = tpu.memref_slice %arg2[%add3A_21] : memref<3276800xi32, #tpu.memory_space<hbm>> -> memref<512xi32, #tpu.memory_space<hbm>>
    %dma_wait3A_26 = arith.constant 0 : i32
    %dma_wait3A_27 = tpu.memref_slice %arg5[%dma_wait3A, %dma_wait3A_26] : memref<2x512xi32, #tpu.memory_space<vmem>> -> memref<1x512xi32, #tpu.memory_space<vmem>>
    %dma_wait3A_28 = tpu.memref_squeeze %dma_wait3A_27 : memref<1x512xi32, #tpu.memory_space<vmem>> -> memref<512xi32, #tpu.memory_space<vmem>>
    %dma_wait3A_29 = tpu.memref_slice %arg2[%add3A_21] : memref<3276800xi32, #tpu.memory_space<hbm>> -> memref<512xi32, #tpu.memory_space<hbm>>
    tpu.wait_dma2 semaphore(%arg17 : memref<!tpu.dma_semaphore, #tpu.memory_space<semaphore_mem>>) src(%dma_wait3A_29 : memref<512xi32, #tpu.memory_space<hbm>>) dst(%dma_wait3A_28 : memref<512xi32, #tpu.memory_space<vmem>>)
    %add3A_30 = arith.constant 101888 : i32
    %add3A_31 = arith.addi %mul3A_2, %add3A_30 : i32
    %add3A_32 = arith.constant 0 : i32
    %add3A_33 = arith.addi %add3A_31, %add3A_32 : i32
    %dma_wait3A_34 = arith.constant 0 : i32
    %dma_wait3A_35 = arith.constant 0 : i32
    %dma_wait3A_36 = arith.constant 0 : i32
    %dma_wait3A_37 = tpu.memref_slice %arg6[%dma_wait3A_34, %dma_wait3A_35, %dma_wait3A_36] : memref<4x128x128xf32, #tpu.memory_space<vmem>> -> memref<1x128x128xf32, #tpu.memory_space<vmem>>
    %dma_wait3A_38 = tpu.memref_squeeze %dma_wait3A_37 : memref<1x128x128xf32, #tpu.memory_space<vmem>> -> memref<128x128xf32, #tpu.memory_space<vmem>>
    %dma_wait3A_39 = arith.constant 0 : i32
    %dma_wait3A_40 = tpu.memref_slice %arg4[%add3A_33, %dma_wait3A_39] : memref<3276800x128xf32, #tpu.memory_space<hbm>> -> memref<128x128xf32, #tpu.memory_space<hbm>>
    %dma_wait3A_41 = arith.constant 0 : i32
    %dma_wait3A_42 = tpu.memref_slice %arg4[%add3A_33, %dma_wait3A_41] : memref<3276800x128xf32, #tpu.memory_space<hbm>> -> memref<128x128xf32, #tpu.memory_space<hbm>>
    %dma_wait3A_43 = arith.constant 0 : i32
    %dma_wait3A_44 = arith.constant 0 : i32
    %dma_wait3A_45 = tpu.memref_slice %arg6[%dma_wait3A_34, %dma_wait3A_43, %dma_wait3A_44] : memref<4x128x128xf32, #tpu.memory_space<vmem>> -> memref<1x128x128xf32, #tpu.memory_space<vmem>>
    %dma_wait3A_46 = tpu.memref_squeeze %dma_wait3A_45 : memref<1x128x128xf32, #tpu.memory_space<vmem>> -> memref<128x128xf32, #tpu.memory_space<vmem>>
    tpu.wait_dma2 semaphore(%arg13 : memref<!tpu.dma_semaphore, #tpu.memory_space<semaphore_mem>>) src(%dma_wait3A_46 : memref<128x128xf32, #tpu.memory_space<vmem>>) dst(%dma_wait3A_42 : memref<128x128xf32, #tpu.memory_space<hbm>>)
    %add3A_47 = arith.constant 101888 : i32
    %add3A_48 = arith.addi %mul3A_2, %add3A_47 : i32
    %add3A_49 = arith.constant 128 : i32
    %add3A_50 = arith.addi %add3A_48, %add3A_49 : i32
    %dma_wait3A_51 = arith.constant 1 : i32
    %dma_wait3A_52 = arith.constant 0 : i32
    %dma_wait3A_53 = arith.constant 0 : i32
    %dma_wait3A_54 = tpu.memref_slice %arg6[%dma_wait3A_51, %dma_wait3A_52, %dma_wait3A_53] : memref<4x128x128xf32, #tpu.memory_space<vmem>> -> memref<1x128x128xf32, #tpu.memory_space<vmem>>
    %dma_wait3A_55 = tpu.memref_squeeze %dma_wait3A_54 : memref<1x128x128xf32, #tpu.memory_space<vmem>> -> memref<128x128xf32, #tpu.memory_space<vmem>>
    %dma_wait3A_56 = arith.constant 0 : i32
    %dma_wait3A_57 = tpu.memref_slice %arg4[%add3A_50, %dma_wait3A_56] : memref<3276800x128xf32, #tpu.memory_space<hbm>> -> memref<128x128xf32, #tpu.memory_space<hbm>>
    %dma_wait3A_58 = arith.constant 0 : i32
    %dma_wait3A_59 = tpu.memref_slice %arg4[%add3A_50, %dma_wait3A_58] : memref<3276800x128xf32, #tpu.memory_space<hbm>> -> memref<128x128xf32, #tpu.memory_space<hbm>>
    %dma_wait3A_60 = arith.constant 0 : i32
    %dma_wait3A_61 = arith.constant 0 : i32
    %dma_wait3A_62 = tpu.memref_slice %arg6[%dma_wait3A_51, %dma_wait3A_60, %dma_wait3A_61] : memref<4x128x128xf32, #tpu.memory_space<vmem>> -> memref<1x128x128xf32, #tpu.memory_space<vmem>>
    %dma_wait3A_63 = tpu.memref_squeeze %dma_wait3A_62 : memref<1x128x128xf32, #tpu.memory_space<vmem>> -> memref<128x128xf32, #tpu.memory_space<vmem>>
    tpu.wait_dma2 semaphore(%arg14 : memref<!tpu.dma_semaphore, #tpu.memory_space<semaphore_mem>>) src(%dma_wait3A_63 : memref<128x128xf32, #tpu.memory_space<vmem>>) dst(%dma_wait3A_59 : memref<128x128xf32, #tpu.memory_space<hbm>>)
    %add3A_64 = arith.constant 101888 : i32
    %add3A_65 = arith.addi %mul3A_2, %add3A_64 : i32
    %add3A_66 = arith.constant 256 : i32
    %add3A_67 = arith.addi %add3A_65, %add3A_66 : i32
    %dma_wait3A_68 = arith.constant 2 : i32
    %dma_wait3A_69 = arith.constant 0 : i32
    %dma_wait3A_70 = arith.constant 0 : i32
    %dma_wait3A_71 = tpu.memref_slice %arg6[%dma_wait3A_68, %dma_wait3A_69, %dma_wait3A_70] : memref<4x128x128xf32, #tpu.memory_space<vmem>> -> memref<1x128x128xf32, #tpu.memory_space<vmem>>
    %dma_wait3A_72 = tpu.memref_squeeze %dma_wait3A_71 : memref<1x128x128xf32, #tpu.memory_space<vmem>> -> memref<128x128xf32, #tpu.memory_space<vmem>>
    %dma_wait3A_73 = arith.constant 0 : i32
    %dma_wait3A_74 = tpu.memref_slice %arg4[%add3A_67, %dma_wait3A_73] : memref<3276800x128xf32, #tpu.memory_space<hbm>> -> memref<128x128xf32, #tpu.memory_space<hbm>>
    %dma_wait3A_75 = arith.constant 0 : i32
    %dma_wait3A_76 = tpu.memref_slice %arg4[%add3A_67, %dma_wait3A_75] : memref<3276800x128xf32, #tpu.memory_space<hbm>> -> memref<128x128xf32, #tpu.memory_space<hbm>>
    %dma_wait3A_77 = arith.constant 0 : i32
    %dma_wait3A_78 = arith.constant 0 : i32
    %dma_wait3A_79 = tpu.memref_slice %arg6[%dma_wait3A_68, %dma_wait3A_77, %dma_wait3A_78] : memref<4x128x128xf32, #tpu.memory_space<vmem>> -> memref<1x128x128xf32, #tpu.memory_space<vmem>>
    %dma_wait3A_80 = tpu.memref_squeeze %dma_wait3A_79 : memref<1x128x128xf32, #tpu.memory_space<vmem>> -> memref<128x128xf32, #tpu.memory_space<vmem>>
    tpu.wait_dma2 semaphore(%arg15 : memref<!tpu.dma_semaphore, #tpu.memory_space<semaphore_mem>>) src(%dma_wait3A_80 : memref<128x128xf32, #tpu.memory_space<vmem>>) dst(%dma_wait3A_76 : memref<128x128xf32, #tpu.memory_space<hbm>>)
    %add3A_81 = arith.constant 101888 : i32
    %add3A_82 = arith.addi %mul3A_2, %add3A_81 : i32
    %add3A_83 = arith.constant 384 : i32
    %add3A_84 = arith.addi %add3A_82, %add3A_83 : i32
    %dma_wait3A_85 = arith.constant 3 : i32
    %dma_wait3A_86 = arith.constant 0 : i32
    %dma_wait3A_87 = arith.constant 0 : i32
    %dma_wait3A_88 = tpu.memref_slice %arg6[%dma_wait3A_85, %dma_wait3A_86, %dma_wait3A_87] : memref<4x128x128xf32, #tpu.memory_space<vmem>> -> memref<1x128x128xf32, #tpu.memory_space<vmem>>
    %dma_wait3A_89 = tpu.memref_squeeze %dma_wait3A_88 : memref<1x128x128xf32, #tpu.memory_space<vmem>> -> memref<128x128xf32, #tpu.memory_space<vmem>>
    %dma_wait3A_90 = arith.constant 0 : i32
    %dma_wait3A_91 = tpu.memref_slice %arg4[%add3A_84, %dma_wait3A_90] : memref<3276800x128xf32, #tpu.memory_space<hbm>> -> memref<128x128xf32, #tpu.memory_space<hbm>>
    %dma_wait3A_92 = arith.constant 0 : i32
    %dma_wait3A_93 = tpu.memref_slice %arg4[%add3A_84, %dma_wait3A_92] : memref<3276800x128xf32, #tpu.memory_space<hbm>> -> memref<128x128xf32, #tpu.memory_space<hbm>>
    %dma_wait3A_94 = arith.constant 0 : i32
    %dma_wait3A_95 = arith.constant 0 : i32
    %dma_wait3A_96 = tpu.memref_slice %arg6[%dma_wait3A_85, %dma_wait3A_94, %dma_wait3A_95] : memref<4x128x128xf32, #tpu.memory_space<vmem>> -> memref<1x128x128xf32, #tpu.memory_space<vmem>>
    %dma_wait3A_97 = tpu.memref_squeeze %dma_wait3A_96 : memref<1x128x128xf32, #tpu.memory_space<vmem>> -> memref<128x128xf32, #tpu.memory_space<vmem>>
    tpu.wait_dma2 semaphore(%arg16 : memref<!tpu.dma_semaphore, #tpu.memory_space<semaphore_mem>>) src(%dma_wait3A_97 : memref<128x128xf32, #tpu.memory_space<vmem>>) dst(%dma_wait3A_93 : memref<128x128xf32, #tpu.memory_space<hbm>>)
    return
  }
}

</mosaic_0001>

<sc_bundles>
// kernel: kernel.3.cloned.1.call-start
scs
__scs_entry_jumppad:
0x0: {  	(pc) =	sbr.rel $0x88, $3  }
0x1: {  	(tag) =	ssettag $0x0;
	lr =	simm.s32 $0x1  }
0x2: {  	[smem:$0x3F9F] =	sst lr;
	_ =	strace $0xD0000000  }
0x3: {  	_ = 	snop  }
0x4: {  	_ = 	snop  }
0x5: {  	_ = 	snop  }
0x6: {  	_ = 	snop  }
0x7: {  	_ = 	snop  }
__scs_overlays_trampoline_lowered:
0x8: {  	[smem:$0x3FAE] =	sst s0  }
0x9: {  	[smem:$0x3FAF] =	sst s1  }
0xa: {  	[smem:$0x3FB0] =	sst s2  }
0xb: {  	[smem:$0x3FB1] =	sst s3  }
0xc: {  	[smem:$0x3FB2] =	sst s4  }
0xd: {  	[smem:$0x3FB3] =	sst s5  }
0xe: {  	[smem:$0x3FB4] =	sst s6  }
0xf: {  	[smem:$0x3FB5] =	sst s7  }
0x10: {  	[smem:$0x3FB6] =	sst s8  }
0x11: {  	[smem:$0x3FB7] =	sst s9;
	s0 =	simm.s32 @!p0 $0x0  }
0x12: {  	s1 =	sld [smem:$0x3F9D];
	s0 =	simm.s32 @p0 $0x1  }
0x13: {  	[smem:$0x3FB8] =	sst s0;
	s0 =	simm.s32 @!p1 $0x0  }
0x14: {  	s2 =	sld [smem:$0x3F9C];
	s0 =	simm.s32 @p1 $0x1  }
0x15: {  	[smem:$0x3FB9] =	sst s0;
	s0 =	simm.s32 @!p2 $0x0  }
0x16: {  	s3 =	sld [smem:$0x3FDB];
	s0 =	simm.s32 @p2 $0x1  }
0x17: {  	s4 =	simm.s32 $0x1BF5;
	[smem:$0x3FBB] =	sst s0  }
0x18: {  	s0 =	sld [smem:$0x3F9E];
	_ =	swait.ge [sflag:s4], $0x0  }
0x19: {  	s7 =	sld [smem:$0x3F9F]  }
0x1a: {  	s8 =	sadd.s32 $0xFFFFE003, lr  }
0x1b: {  	s9 =	sadd.s32 $0xFFFFFEF7, lr;
	s5 =	simm.s32 $0xFFFFFFFF;
	p2 =	slt.u32 s8, $0xFFFFF086  }
0x1c: {  	p1 =	slt.u32 s9, $0xF7A;
	s5 =	simm.s32 @!p2 $0x0  }
0x1d: {  	s5 =	simm.s32 @p1 $0x1;
	p0 =	seq.s32 s7, s2  }
0x1e: {  	s7 =	smul.u32 @!p0 $0xF7A, s2;
	p2 =	seq.s32 @!p0 s5, $0x0  }
0x1f: {  	s9 =	smul.u32 $0xF7A, s1;
	s8 =	simm.s32 @!p0 $0x1BF5;
	p2 =	por !p2, p0  }
0x20: {  	[sflag:s8] =	ssyncset.s32 @!p0 $0xFFFFF086;
	s6 =	sadd.s32 @!p0 s3, s7;
	s7 =	simm.s32 @!p0 $0x108  }
0x21: {  	s3 =	sadd.s32 s3, s9;
	s6 =	sadd.s32 @!p0 $0x88, s6;
	s7 =	simm.s32 @p2 $0x1082  }
0x22: {  	[simem:s7], [sflag:s8] =	dma.local @!p0 [hbm:s6], $0xF7A  }
0x23: {  	s9 =	sor.u32 $0xD0000000, s2;
	s6 =	simm.s32 $0x108;
	_ =	swait.ge @!p0 [sflag:s8], $0x0  }
0x24: {  	s3 =	sadd.s32 $0x88, s3;
	s6 =	simm.s32 @!p1 $0x1082;
	[sflag:s4] =	ssyncset.s32 $0xFFFFF086  }
0x25: {  	[simem:s6], [sflag:s4] =	dma.local [hbm:s3], $0xF7A  }
0x26: {  	[smem:$0x3F9F] =	sst s1;
	(tag) =	ssettag s2;
	_ =	strace s9  }
0x27: {  	s1 =	sld [smem:$0x3FAF]  }
0x28: {  	s2 =	sld [smem:$0x3FB0]  }
0x29: {  	s4 =	sld [smem:$0x3FB2]  }
0x2a: {  	p0 =	seq.s32 s5, $0x0;
	s5 =	sld [smem:$0x3FB3]  }
0x2b: {  	s6 =	sld [smem:$0x3FB4]  }
0x2c: {  	s7 =	sld [smem:$0x3FB5]  }
0x2d: {  	s3 =	simm.s32 $0x108;
	s8 =	sld [smem:$0x3FB6]  }
0x2e: {  	s3 =	simm.s32 @!p0 $0x1082;
	s9 =	sld [smem:$0x3FB7]  }
0x2f: {  	lr =	sadd.s32 s0, s3;
	s0 =	sld [smem:$0x3FAE]  }
0x30: {  	s3 =	sld [smem:$0x3FB1]  }
0x31: {  	[smem:$0x3FBA] =	sst s10  }
0x32: {  	s10 =	sld [smem:$0x3FB8];
	_ =	sdelay $0x3  }
0x33: {  	p0 =	seq.s32 s10, $0x1;
	s10 =	sld [smem:$0x3FBA];
	_ =	sdelay $0x3  }
0x34: {  	[smem:$0x3FBA] =	sst s10  }
0x35: {  	s10 =	sld [smem:$0x3FB9];
	_ =	sdelay $0x3  }
0x36: {  	p1 =	seq.s32 s10, $0x1;
	s10 =	sld [smem:$0x3FBA];
	_ =	sdelay $0x3  }
0x37: {  	[smem:$0x3FBA] =	sst s10  }
0x38: {  	s10 =	sld [smem:$0x3FBB]  }
0x39: {  	_ = 	snop;
	(pc) =	sbr.ind lr, $3  }
0x3a: {  	_ = 	snop  }
0x3b: {  	_ = 	snop  }
0x3c: {  	p2 =	seq.s32 s10, $0x1;
	s10 =	sld [smem:$0x3FBA]  }
0x3d: {  	_ =	shalt  }
0x3e: {  	_ =	shalt  }
0x3f: {  	_ =	shalt  }
0x40: {  	_ =	shalt  }
0x41: {  	_ =	shalt  }
0x42: {  	_ =	shalt  }
0x43: {  	_ =	shalt  }
0x44: {  	_ =	shalt  }
0x45: {  	_ =	shalt  }
0x46: {  	_ =	shalt  }
0x47: {  	_ =	shalt  }
0x48: {  	_ =	shalt  }
0x49: {  	_ =	shalt  }
0x4a: {  	_ =	shalt  }
0x4b: {  	_ =	shalt  }
0x4c: {  	_ =	shalt  }
0x4d: {  	_ =	shalt  }
0x4e: {  	_ =	shalt  }
0x4f: {  	_ =	shalt  }
0x50: {  	_ =	shalt  }
0x51: {  	_ =	shalt  }
0x52: {  	_ =	shalt  }
0x53: {  	_ =	shalt  }
0x54: {  	_ =	shalt  }
0x55: {  	_ =	shalt  }
0x56: {  	_ =	shalt  }
0x57: {  	_ =	shalt  }
0x58: {  	_ =	shalt  }
0x59: {  	_ =	shalt  }
0x5a: {  	_ =	shalt  }
0x5b: {  	_ =	shalt  }
0x5c: {  	_ =	shalt  }
0x5d: {  	_ =	shalt  }
0x5e: {  	_ =	shalt  }
0x5f: {  	_ =	shalt  }
0x60: {  	_ =	shalt  }
0x61: {  	_ =	shalt  }
0x62: {  	_ =	shalt  }
0x63: {  	_ =	shalt  }
0x64: {  	_ =	shalt  }
0x65: {  	_ =	shalt  }
0x66: {  	_ =	shalt  }
0x67: {  	_ =	shalt  }
0x68: {  	_ =	shalt  }
0x69: {  	_ =	shalt  }
0x6a: {  	_ =	shalt  }
0x6b: {  	_ =	shalt  }
0x6c: {  	_ =	shalt  }
0x6d: {  	_ =	shalt  }
0x6e: {  	_ =	shalt  }
0x6f: {  	_ =	shalt  }
0x70: {  	_ =	shalt  }
0x71: {  	_ =	shalt  }
0x72: {  	_ =	shalt  }
0x73: {  	_ =	shalt  }
0x74: {  	_ =	shalt  }
0x75: {  	_ =	shalt  }
0x76: {  	_ =	shalt  }
0x77: {  	_ =	shalt  }
0x78: {  	_ =	shalt  }
0x79: {  	_ =	shalt  }
0x7a: {  	_ =	shalt  }
0x7b: {  	_ =	shalt  }
0x7c: {  	_ =	shalt  }
0x7d: {  	_ =	shalt  }
0x7e: {  	_ =	shalt  }
0x7f: {  	_ =	shalt  }
0x80: {  	_ =	shalt  }
0x81: {  	_ =	shalt  }
0x82: {  	_ =	shalt  }
0x83: {  	_ =	shalt  }
0x84: {  	_ =	shalt  }
0x85: {  	_ =	shalt  }
0x86: {  	_ =	shalt  }
0x87: {  	_ =	shalt  }
.Lfunc_end0:
.L_simem_size_0:
called_computation_lowered:
.L_overlay_start_0:
0x88: {  	s2 =	sld [smem:$0x3FD9]  }
0x89: {  	s3 =	sld [smem:$0x3FFE];
	_ =	sdelay $0x1  }
0x8a: {  	s1 =	srdreg.scid  }
0x8b: {  	s0 =	sand.u32 $0x1, s1  }
0x8c: {  	s17 =	sshll.u32 s0, $0xA;
	s2 =	sadd.s32 s3, s2  }
0x8d: {  	s2 =	sadd.s32 s2, s17  }
0x8e: {  	[smem:$0x3FC6] =	sst s2  }
0x8f: {  	_ = 	snop  }
0x90: {  	s2 =	sld [smem:$0x3FD0];
	(tm) =	ssettm $0x1  }
0x91: {  	s18 =	sld [smem:$0x3FFB];
	_ =	sdelay $0x3  }
0x92: {  	_ =	strace s18  }
0x93: {  	s3 =	sld [smem:$0x3FFC];
	_ =	sdelay $0x3  }
0x94: {  	_ =	strace s3  }
0x95: {  	s3 =	sld [smem:$0x3FFD];
	_ =	sdelay $0x3  }
0x96: {  	_ =	strace s3  }
0x97: {  	_ =	strace $0x8FFFFFFF  }
0x98: {  	s19 =	sld [smem:$0x3FDB];
	_ =	sdelay $0x1  }
0x99: {  	s4 =	simm.s32 $_scs_section_size  }
0x9a: {  	s5 =	simm.s32 $_size__tile_overlayer_lowered;
	s6 =	simm.s32 $_tile_overlayer_lowered  }
0x9b: {  	s22 =	simm.s32 $0x1BFF;
	s21 =	sshll.u32 s6, $0x1;
	s3 =	sadd.s32 s4, s19  }
0x9c: {  	s7 =	simm.s32 $0x0;
	s20 =	sshll.u32 s5, $0x1;
	s5 =	sadd.s32 s21, s3  }
0x9d: {  	[timem:s7], [sflag:s22] =	dma.local [hbm:s5], s20  }
0x9e: {  	_ =	swait.ge [sflag:s22], s20  }
0x9f: {  	s4 =	ssub.s32 $0x0, s20;
	[sflag:s22] =	ssyncset.done $0x0  }
0xa0: {  	[sflag:s22] =	ssyncadd.s32 s4;
	_ =	sdelay $0x1  }
0xa1: {  	s23 =	simm.s32 $0x1B8B  }
0xa2: {  	_ =	swait.ge [sflag:s23], $0x1  }
0xa3: {  	[sflag:s23] =	ssyncset.done $0x0  }
0xa4: {  	s25 =	simm.s32 $0x1B8E;
	s24 =	sld [smem:$0x3FFE];
	[sflag:s23] =	ssyncadd.s32 $0xFFFFFFFF  }
0xa5: {  	s26 =	simm.s32 $execute0_lowered;
	[smem:$0x3FD2] =	sst s25  }
0xa6: {  	s5 =	sshll.u32 s26, $0x1;
	_ =	strace $0x80000046;
	[dreg:$0x1] =	wrdreg $0xFFFFFFFF  }
0xa7: {  	s28 =	simm.s32 $_size_execute0_lowered;
	s3 =	sadd.s32 s3, s5;
	[dreg:$0x0] =	wrdreg $0x0  }
0xa8: {  	s5 =	sshll.u32 s28, $0x1;
	[dreg:$0x2] =	wrdreg s3  }
0xa9: {  	[dreg:$0x3] =	wrdreg s5  }
0xaa: {  	[dreg:$0x4] =	wrdreg $0xC0  }
0xab: {  	_ =	task [dreg:s7], $0x5FFFF  }
0xac: {  	[dreg:$0x1] =	wrdreg $0xFFFFFFFF  }
0xad: {  	[dreg:$0x0] =	wrdreg $0x60  }
0xae: {  	[dreg:$0x2] =	wrdreg s24  }
0xaf: {  	[dreg:$0x3] =	wrdreg s2  }
0xb0: {  	[dreg:$0x4] =	wrdreg $0x10C000  }
0xb1: {  	[dreg:$0x5] =	wrdreg $0x9  }
0xb2: {  	_ =	task.clear_ibuf [dreg:s7], $0x6FFFF;
	_ =	strace $0x90000046  }
0xb3: {  	s29 =	simm.s32 $0x9;
	_ =	strace $0x80000048  }
0xb4: {  	_ =	swait.ge [sflag:s29], $0x1  }
0xb5: {  	[sflag:s29] =	ssyncadd.s32 $0xFFFFFFFF  }
0xb6: {  	_ =	strace $0x90000048  }
0xb7: {  	_ =	sfence  }
0xb8: {  	s30 =	sld [smem:$0x0];
	_ =	sdelay $0x2  }
0xb9: {  	s31 =	sshll.u32 s1, $0xD;
	s1 =	sshrl.u32 s1, $0x2  }
0xba: {  	s3 =	sand.u32 $0x4000, s31;
	s1 =	sadd.s32 s1, s30  }
0xbb: {  	s0 =	sor.u32 s3, s0;
	s1 =	sshll.u32 s1, $0x11  }
0xbc: {  	s0 =	sor.u32 s1, s0  }
0xbd: {  	s0 =	sadd.s32 $0x8F2B, s0  }
0xbe: {  	[sflag:s0] =	ssyncadd.remote.s32 $0x1  }
0xbf: {  	_ =	sfence.sel $0xFFFF  }
0xc0: {  	[dreg:$0x0] =	wrdreg $0xFFFFFFFF;
	(pc) =	sbr.abs _section_cstart, $3  }
0xc1: {  	[dreg:$0x1] =	wrdreg $0xFFFFFFFF  }
0xc2: {  	_ =	task.clear_ibuf [dreg:s7], $0x2FFFF;
	_ =	strace $0x9FFFFFFF  }
0xc3: {  	(tm) =	ssettm $0x7FFFFFFF  }
tec
execute0_lowered:
.L_overlay_start_1:
0x0: {  	(tag) =	ssettag $0x1  }
0x1: {  	s0 =	rddreg [dreg:$0x0]  }
0x2: {  	s4 =	rddreg [dreg:$0x1]  }
0x3: {  	s1 =	rddreg [dreg:$0x2]  }
0x4: {  	s3 =	srdreg.scid;
	s5 =	stileid.u32;
	s2 =	simm.s32 $0x0  }
0x5: {  	s15 =	simm.s32 $0x300;
	s16 =	simm.s32 $0x9;
	s17 =	simm.s32 $0x80  }
0x6: {  	s18 =	simm.s32 $0x180;
	s28 =	simm.s32 $0x8400;
	s29 =	simm.s32 $0x4  }
0x7: {  	s30 =	simm.s32 $0xA;
	s31 =	simm.s32 $0x5;
	s6 =	sand.u32 $0x1, s3  }
0x8: {  	s19 =	sshll.u32 s5, $0x1;
	[smem:$0x7FF] =	sst s2;
	s8 =	smul.u32 $0x32000, s5  }
0x9: {  	s13 =	sadd.s32 $0x600, s0;
	s0 =	sadd.s32 $0x64600, s0;
	s21 =	smul.u32 $0x320000, s5  }
0xa: {  	p0 =	sne.s32 s5, $0x0;
	s3 =	simm.s32 $0x0;
	s7 =	sor.u32 s6, s19  }
0xb: {  	_ =	strace $0x80000047;
	[dreg:$0x6] =	wrdreg s0;
	s11 =	smul.u32 $0x19000, s6  }
0xc: {  	s20 =	ssub.s32 $0x2, s6;
	s6 =	smul.u32 $0x190000, s6;
	s19 =	simm.s32 $0x280  }
0xd: {  	s7 =	smul.u32 $0x19000, s7;
	s9 =	sshrl.u32 s20, $0x1;
	s4 =	sadd.s32 s21, s4  }
0xe: {  	s21 =	simm.s32 $0xC400;
	s0 =	ssub.s32 s20, s9;
	s8 =	sadd.s32 s11, s8  }
0xf: {  	s4 =	sadd.s32 s6, s4;
	s11 =	simm.s32 $0x200;
	s20 =	simm.s32 $0x380  }
0x10: {  	s10 =	sshrl.u32 s7, $0x3;
	s7 =	sor.u32 $0x400, s7;
	[dreg:$0x5] =	wrdreg s4  }
0x11: {  	s22 =	sor.u32 $0x200, s8;
	s0 =	smax.u32 s0, $0x1;
	[dreg:$0x4] =	wrdreg s7  }
0x12: {  	s10 =	sadd.s32 s13, s10;
	[dreg:$0x8] =	wrdreg s0;
	s23 =	sshrl.u32 s22, $0x3  }
0x13: {  	s8 =	simm.s32 $0x7;
	s0 =	sadd.s32 s23, s13;
	[dreg:$0x7] =	wrdreg s10  }
0x14: {  	s4 =	simm.s32 $0x8;
	s24 =	sadd.s32 $0x10, s10;
	[dreg:$0x9] =	wrdreg s0  }
0x15: {  	s7 =	simm.s32 $0x100;
	s25 =	sadd.s32 $0x20, s10;
	[dreg:$0xa] =	wrdreg s24  }
0x16: {  	s22 =	simm.s32 $0x1;
	s26 =	sadd.s32 $0x30, s10;
	[dreg:$0xb] =	wrdreg s25  }
0x17: {  	s23 =	simm.s32 $0x400;
	[dreg:$0xc] =	wrdreg s26;
	s24 =	simm.s32 $0x2  }
0x18: {  	s25 =	simm.s32 $0x4400;
	s26 =	simm.s32 $0x3;
	s0 =	simm.s32 $0x6  }
.LBB2_1:
0x19: {  	[dreg:$0xd] =	wrdreg s3  }
0x1a: {  	s5 =	rddreg [dreg:$0x6];
	s6 =	simm.s32 $0x10400;
	s12 =	simm.s32 $0xB  }
0x1b: {  	[tilespmem:s6], [sflag:$0xB] =	stream.linear.gather [hbm4b:s5+s2], $0x800, $0x38;
	[tilespmem:$0x10C80] =	vst v63  }
0x1c: {  	_ =	swait.ge [sflag:s12], $0x800  }
0x1d: {  	[sflag:s12] =	ssyncset.done $0x0  }
0x1e: {  	s5 =	simm.s32 @!p0 $0x10400;
	[sflag:s12] =	ssyncadd.s32 $0xFFFFF800  }
0x1f: {  	[spmem:s1] =	stream.linear.scatter @!p0 [tilespmem:s5], [sflag:$0xB], $0x800, $0x38;
	[tilespmem:$0x10C80] =	vst v63  }
0x20: {  	s5 =	simm.s32 @!p0 $0xB  }
0x21: {  	_ =	swait.ge @!p0 [sflag:s5], $0x800  }
0x22: {  	[sflag:s5] =	ssyncset.done @!p0 $0x0  }
0x23: {  	[sflag:s5] =	ssyncadd.s32 @!p0 $0xFFFFF800  }
0x24: {  	[bflag:$0x0] =	sbarrier.arrive $0xFFFF  }
0x25: {  	s14 =	rddreg [dreg:$0x7]  }
0x26: {  	[tilespmem:s2], [sflag:$0x9] =	stream.linear.gather [hbm4b:s14+s2], $0x80, $0x38;
	[tilespmem:$0x10C80] =	vst v63  }
0x27: {  	s3 =	rddreg [dreg:$0xa]  }
0x28: {  	[tilespmem:s7], [sflag:$0x9] =	stream.linear.gather [hbm4b:s3+s2], $0x80, $0x38;
	[tilespmem:$0x10C80] =	vst v63  }
0x29: {  	s5 =	rddreg [dreg:$0xb]  }
0x2a: {  	[tilespmem:s11], [sflag:$0x9] =	stream.linear.gather [hbm4b:s5+s2], $0x80, $0x38;
	[tilespmem:$0x10C80] =	vst v63  }
0x2b: {  	s6 =	rddreg [dreg:$0xc]  }
0x2c: {  	[tilespmem:s15], [sflag:$0x9] =	stream.linear.gather [hbm4b:s6+s2], $0x80, $0x38;
	[tilespmem:$0x10C80] =	vst v63  }
0x2d: {  	_ =	swait.ge [sflag:s16], $0x200  }
0x2e: {  	[sflag:s16] =	ssyncset.done $0x0  }
0x2f: {  	s6 =	rddreg [dreg:$0x9];
	[sflag:s16] =	ssyncadd.s32 $0xFFFFFE00  }
0x30: {  	[tilespmem:s17], [sflag:$0xA] =	stream.linear.gather [hbm4b:s6+s2], $0x80, $0x38;
	[tilespmem:$0x10C80] =	vst v63  }
0x31: {  	s9 =	sadd.s32 $0x10, s6  }
0x32: {  	[tilespmem:s18], [sflag:$0xA] =	stream.linear.gather [hbm4b:s9+s2], $0x80, $0x38;
	[tilespmem:$0x10C80] =	vst v63  }
0x33: {  	p1 =	por $0x0, $0x0;
	s10 =	sadd.s32 $0x20, s6  }
0x34: {  	[tilespmem:s19], [sflag:$0xA] =	stream.linear.gather [hbm4b:s10+s2], $0x80, $0x38;
	[tilespmem:$0x10C80] =	vst v63  }
0x35: {  	s5 =	simm.s32 @p1 $0x5;
	s12 =	sadd.s32 $0x30, s6  }
0x36: {  	[tilespmem:s20], [sflag:$0xA] =	stream.linear.gather [hbm4b:s12+s2], $0x80, $0x38;
	[tilespmem:$0x10C80] =	vst v63  }
0x37: {  	_ =	swait.ge @p1 [sflag:s5], $0x4000  }
0x38: {  	s9 =	simm.s32 @p1 $0x400;
	s10 =	simm.s32 @p1 $0x80;
	[sflag:s5] =	ssyncset.done @p1 $0x0  }
0x39: {  	s12 =	simm.s32 @p1 $0x0;
	[sflag:s5] =	ssyncadd.s32 @p1 $0xFFFFC000;
	s5 =	simm.s32 @p1 $0x6  }
0x3a: {  	[tilespmem:s9], [sflag:$0x1] =	stream.indirect.gather @p1 [spmem:s1], $0x80, s12, s10, $0xb8;
	[tilespmem:$0x10C80] =	vst v63  }
0x3b: {  	_ =	swait.ge @p1 [sflag:s5], $0x4000  }
0x3c: {  	s9 =	simm.s32 @p1 $0x100;
	[sflag:s5] =	ssyncset.done @p1 $0x0  }
0x3d: {  	s12 =	simm.s32 @p1 $0x4400;
	[sflag:s5] =	ssyncadd.s32 @p1 $0xFFFFC000;
	s5 =	simm.s32 @p1 $0x7  }
0x3e: {  	[tilespmem:s12], [sflag:$0x2] =	stream.indirect.gather @p1 [spmem:s1], $0x80, s9, s10, $0xb8;
	[tilespmem:$0x10C80] =	vst v63  }
0x3f: {  	_ =	swait.ge @p1 [sflag:s5], $0x4000  }
0x40: {  	s9 =	simm.s32 @p1 $0x200;
	[sflag:s5] =	ssyncset.done @p1 $0x0  }
0x41: {  	s12 =	simm.s32 @p1 $0x8400;
	[sflag:s5] =	ssyncadd.s32 @p1 $0xFFFFC000;
	s5 =	simm.s32 @p1 $0x8  }
0x42: {  	[tilespmem:s12], [sflag:$0x3] =	stream.indirect.gather @p1 [spmem:s1], $0x80, s9, s10, $0xb8;
	[tilespmem:$0x10C80] =	vst v63  }
0x43: {  	_ =	swait.ge @p1 [sflag:s5], $0x4000  }
0x44: {  	s9 =	simm.s32 @!p1 $0x400;
	[sflag:s5] =	ssyncset.done @p1 $0x0  }
0x45: {  	s10 =	simm.s32 @!p1 $0x80;
	s12 =	simm.s32 @!p1 $0x0;
	[sflag:s5] =	ssyncadd.s32 @p1 $0xFFFFC000  }
0x46: {  	[tilespmem:s9], [sflag:$0x1] =	stream.indirect.gather @!p1 [spmem:s1], $0x80, s12, s10, $0xb8;
	[tilespmem:$0x10C80] =	vst v63  }
0x47: {  	s5 =	simm.s32 @!p1 $0x100;
	s9 =	simm.s32 @!p1 $0x4400  }
0x48: {  	[tilespmem:s9], [sflag:$0x2] =	stream.indirect.gather @!p1 [spmem:s1], $0x80, s5, s10, $0xb8;
	[tilespmem:$0x10C80] =	vst v63  }
0x49: {  	s5 =	simm.s32 @!p1 $0x200;
	s9 =	simm.s32 @!p1 $0x8400  }
0x4a: {  	[tilespmem:s9], [sflag:$0x3] =	stream.indirect.gather @!p1 [spmem:s1], $0x80, s5, s10, $0xb8;
	[tilespmem:$0x10C80] =	vst v63  }
0x4b: {  	_ = 	snop  }
0x4c: {  	[tilespmem:s21], [sflag:$0x4] =	stream.indirect.gather [spmem:s1], $0x80, s15, s17, $0xb8;
	[tilespmem:$0x10C80] =	vst v63  }
0x4d: {  	_ =	swait.ge [sflag:s22], $0x4000  }
0x4e: {  	s14 =	rddreg [dreg:$0x5];
	[sflag:s22] =	ssyncset.done $0x0  }
0x4f: {  	[sflag:s22] =	ssyncadd.s32 $0xFFFFC000;
	s5 =	sadd.s32 $0x0, s14  }
0x50: {  	[hbm4b:s5+s2] =	stream.linear.scatter [tilespmem:s23], [sflag:$0x5], $0x4000, $0x38;
	[tilespmem:$0x10C80] =	vst v63  }
0x51: {  	_ =	swait.ge [sflag:s24], $0x4000  }
0x52: {  	[sflag:s24] =	ssyncset.done $0x0  }
0x53: {  	s3 =	sadd.s32 $0x800, s5;
	[sflag:s24] =	ssyncadd.s32 $0xFFFFC000  }
0x54: {  	[hbm4b:s3+s2] =	stream.linear.scatter [tilespmem:s25], [sflag:$0x6], $0x4000, $0x38;
	[tilespmem:$0x10C80] =	vst v63  }
0x55: {  	_ =	swait.ge [sflag:s26], $0x4000  }
0x56: {  	[sflag:s26] =	ssyncset.done $0x0  }
0x57: {  	s10 =	sadd.s32 $0x1000, s5;
	[sflag:s26] =	ssyncadd.s32 $0xFFFFC000  }
0x58: {  	[hbm4b:s10+s2] =	stream.linear.scatter [tilespmem:s28], [sflag:$0x7], $0x4000, $0x38;
	[tilespmem:$0x10C80] =	vst v63  }
0x59: {  	_ =	swait.ge [sflag:s29], $0x4000  }
0x5a: {  	p1 =	por $0x1, $0x1;
	[sflag:s29] =	ssyncset.done $0x0  }
0x5b: {  	s9 =	simm.s32 $0x0;
	s12 =	sadd.s32 $0x1800, s5;
	[sflag:s29] =	ssyncadd.s32 $0xFFFFC000  }
0x5c: {  	[hbm4b:s12+s2] =	stream.linear.scatter [tilespmem:s21], [sflag:$0x8], $0x4000, $0x38;
	[tilespmem:$0x10C80] =	vst v63  }
0x5d: {  	s9 =	simm.s32 @!p1 $0xC5;
	_ =	swait.ge [sflag:s30], $0x200  }
0x5e: {  	s9 =	sshll.u32 s9, $0x9;
	s14 =	rddreg [dreg:$0x4]  }
0x5f: {  	s9 =	sadd.s32 s9, s14  }
0x60: {  	[sflag:s30] =	ssyncset.done $0x0;
	s9 =	sshrl.u32 s9, $0x3  }
0x61: {  	[sflag:s30] =	ssyncadd.s32 $0xFFFFFE00;
	s9 =	sadd.s32 s13, s9  }
0x62: {  	[tilespmem:s2], [sflag:$0x9] =	stream.linear.gather [hbm4b:s9+s2], $0x80, $0x38;
	[tilespmem:$0x10C80] =	vst v63  }
0x63: {  	s3 =	sadd.s32 $0x10, s9  }
0x64: {  	[tilespmem:s7], [sflag:$0x9] =	stream.linear.gather [hbm4b:s3+s2], $0x80, $0x38;
	[tilespmem:$0x10C80] =	vst v63  }
0x65: {  	s7 =	sadd.s32 $0x20, s9  }
0x66: {  	[tilespmem:s11], [sflag:$0x9] =	stream.linear.gather [hbm4b:s7+s2], $0x80, $0x38;
	[tilespmem:$0x10C80] =	vst v63  }
0x67: {  	s9 =	sadd.s32 $0x30, s9  }
0x68: {  	[tilespmem:s15], [sflag:$0x9] =	stream.linear.gather [hbm4b:s9+s2], $0x80, $0x38;
	[tilespmem:$0x10C80] =	vst v63  }
0x69: {  	_ =	swait.ge [sflag:s31], $0x4000  }
0x6a: {  	[sflag:s31] =	ssyncset.done $0x0  }
0x6b: {  	[sflag:s31] =	ssyncadd.s32 $0xFFFFC000  }
0x6c: {  	[tilespmem:s23], [sflag:$0x1] =	stream.indirect.gather [spmem:s1], $0x80, s17, s17, $0xb8;
	[tilespmem:$0x10C80] =	vst v63  }
0x6d: {  	_ =	swait.ge [sflag:s0], $0x4000  }
0x6e: {  	[sflag:s0] =	ssyncset.done $0x0  }
0x6f: {  	[sflag:s0] =	ssyncadd.s32 $0xFFFFC000  }
0x70: {  	[tilespmem:s25], [sflag:$0x2] =	stream.indirect.gather [spmem:s1], $0x80, s18, s17, $0xb8;
	[tilespmem:$0x10C80] =	vst v63  }
0x71: {  	_ =	swait.ge [sflag:s8], $0x4000  }
0x72: {  	[sflag:s8] =	ssyncset.done $0x0  }
0x73: {  	[sflag:s8] =	ssyncadd.s32 $0xFFFFC000  }
0x74: {  	[tilespmem:s28], [sflag:$0x3] =	stream.indirect.gather [spmem:s1], $0x80, s19, s17, $0xb8;
	[tilespmem:$0x10C80] =	vst v63  }
0x75: {  	_ =	swait.ge [sflag:s4], $0x4000  }
0x76: {  	[sflag:s4] =	ssyncset.done $0x0  }
0x77: {  	[sflag:s4] =	ssyncadd.s32 $0xFFFFC000  }
0x78: {  	[tilespmem:s21], [sflag:$0x4] =	stream.indirect.gather [spmem:s1], $0x80, s20, s17, $0xb8;
	[tilespmem:$0x10C80] =	vst v63  }
0x79: {  	_ =	swait.ge [sflag:s22], $0x4000  }
0x7a: {  	[sflag:s22] =	ssyncset.done $0x0  }
0x7b: {  	s12 =	sadd.s32 $0x2000, s5;
	[sflag:s22] =	ssyncadd.s32 $0xFFFFC000  }
0x7c: {  	[hbm4b:s12+s2] =	stream.linear.scatter [tilespmem:s23], [sflag:$0x5], $0x4000, $0x38;
	[tilespmem:$0x10C80] =	vst v63  }
0x7d: {  	_ =	swait.ge [sflag:s24], $0x4000  }
0x7e: {  	[sflag:s24] =	ssyncset.done $0x0  }
0x7f: {  	s14 =	sadd.s32 $0x2800, s5;
	[sflag:s24] =	ssyncadd.s32 $0xFFFFC000  }
0x80: {  	[hbm4b:s14+s2] =	stream.linear.scatter [tilespmem:s25], [sflag:$0x6], $0x4000, $0x38;
	[tilespmem:$0x10C80] =	vst v63  }
0x81: {  	_ =	swait.ge [sflag:s26], $0x4000  }
0x82: {  	[sflag:s26] =	ssyncset.done $0x0  }
0x83: {  	s15 =	sadd.s32 $0x3000, s5;
	[sflag:s26] =	ssyncadd.s32 $0xFFFFC000  }
0x84: {  	[hbm4b:s15+s2] =	stream.linear.scatter [tilespmem:s28], [sflag:$0x7], $0x4000, $0x38;
	[tilespmem:$0x10C80] =	vst v63  }
0x85: {  	s10 =	simm.s32 $0x4000;
	s9 =	sadd.s32 $0x3800, s5;
	_ =	swait.ge [sflag:s29], $0x4000  }
0x86: {  	s12 =	sadd.s32 $0x80, s6;
	s14 =	simm.s32 $0x0;
	[sflag:s29] =	ssyncset.done $0x0  }
.LBB2_2:
0x87: {  	[sflag:s29] =	ssyncadd.s32 $0xFFFFC000  }
0x88: {  	[hbm4b:s9+s2] =	stream.linear.scatter [tilespmem:s21], [sflag:$0x8], $0x4000, $0x38;
	[tilespmem:$0x10C80] =	vst v63  }
0x89: {  	_ =	swait.ge [sflag:s16], $0x200  }
0x8a: {  	[sflag:s16] =	ssyncset.done $0x0  }
0x8b: {  	[sflag:s16] =	ssyncadd.s32 $0xFFFFFE00  }
0x8c: {  	[tilespmem:s17], [sflag:$0xA] =	stream.linear.gather [hbm4b:s12+s2], $0x80, $0x38;
	[tilespmem:$0x10C80] =	vst v63  }
0x8d: {  	s5 =	smov.u32 s10;
	s15 =	sadd.s32 $0x10, s12  }
0x8e: {  	[tilespmem:s18], [sflag:$0xA] =	stream.linear.gather [hbm4b:s15+s2], $0x80, $0x38;
	[tilespmem:$0x10C80] =	vst v63  }
0x8f: {  	s3 =	sadd.s32 $0x20, s12;
	p2 =	sne.s32 s5, $0x0  }
0x90: {  	[tilespmem:s19], [sflag:$0xA] =	stream.linear.gather [hbm4b:s3+s2], $0x80, $0x38;
	[tilespmem:$0x10C80] =	vst v63  }
0x91: {  	s6 =	sadd.s32 $0x30, s12;
	s9 =	simm.s32 @p2 $0x5  }
0x92: {  	[tilespmem:s20], [sflag:$0xA] =	stream.linear.gather [hbm4b:s6+s2], $0x80, $0x38;
	[tilespmem:$0x10C80] =	vst v63  }
0x93: {  	_ =	swait.ge @p2 [sflag:s9], $0x4000  }
0x94: {  	s7 =	simm.s32 @p2 $0x400;
	s11 =	simm.s32 @p2 $0x0;
	[sflag:s9] =	ssyncset.done @p2 $0x0  }
0x95: {  	s6 =	simm.s32 @p2 $0x80;
	[sflag:s9] =	ssyncadd.s32 @p2 $0xFFFFC000;
	s9 =	simm.s32 @p2 $0x6  }
0x96: {  	[tilespmem:s7], [sflag:$0x1] =	stream.indirect.gather @p2 [spmem:s1], $0x80, s11, s6, $0xb8;
	[tilespmem:$0x10C80] =	vst v63  }
0x97: {  	_ =	swait.ge @p2 [sflag:s9], $0x4000  }
0x98: {  	s7 =	simm.s32 @p2 $0x100;
	[sflag:s9] =	ssyncset.done @p2 $0x0  }
0x99: {  	s11 =	simm.s32 @p2 $0x4400;
	[sflag:s9] =	ssyncadd.s32 @p2 $0xFFFFC000;
	s9 =	simm.s32 @p2 $0x7  }
0x9a: {  	[tilespmem:s11], [sflag:$0x2] =	stream.indirect.gather @p2 [spmem:s1], $0x80, s7, s6, $0xb8;
	[tilespmem:$0x10C80] =	vst v63  }
0x9b: {  	_ =	swait.ge @p2 [sflag:s9], $0x4000  }
0x9c: {  	s7 =	simm.s32 @p2 $0x200;
	[sflag:s9] =	ssyncset.done @p2 $0x0  }
0x9d: {  	s11 =	simm.s32 @p2 $0x8400;
	[sflag:s9] =	ssyncadd.s32 @p2 $0xFFFFC000;
	s9 =	simm.s32 @p2 $0x8  }
0x9e: {  	[tilespmem:s11], [sflag:$0x3] =	stream.indirect.gather @p2 [spmem:s1], $0x80, s7, s6, $0xb8;
	[tilespmem:$0x10C80] =	vst v63  }
0x9f: {  	_ =	swait.ge @p2 [sflag:s9], $0x4000  }
0xa0: {  	s6 =	simm.s32 @!p2 $0x400;
	[sflag:s9] =	ssyncset.done @p2 $0x0  }
0xa1: {  	s7 =	simm.s32 @!p2 $0x80;
	s11 =	simm.s32 @!p2 $0x0;
	[sflag:s9] =	ssyncadd.s32 @p2 $0xFFFFC000  }
0xa2: {  	[tilespmem:s6], [sflag:$0x1] =	stream.indirect.gather @!p2 [spmem:s1], $0x80, s11, s7, $0xb8;
	[tilespmem:$0x10C80] =	vst v63  }
0xa3: {  	s15 =	simm.s32 @!p2 $0x4400;
	s9 =	simm.s32 @!p2 $0x100  }
0xa4: {  	[tilespmem:s15], [sflag:$0x2] =	stream.indirect.gather @!p2 [spmem:s1], $0x80, s9, s7, $0xb8;
	[tilespmem:$0x10C80] =	vst v63  }
0xa5: {  	s6 =	simm.s32 @!p2 $0x200;
	s11 =	simm.s32 @!p2 $0x8400  }
0xa6: {  	[tilespmem:s11], [sflag:$0x3] =	stream.indirect.gather @!p2 [spmem:s1], $0x80, s6, s7, $0xb8;
	[tilespmem:$0x10C80] =	vst v63  }
0xa7: {  	s15 =	simm.s32 $0x300  }
0xa8: {  	[tilespmem:s21], [sflag:$0x4] =	stream.indirect.gather [spmem:s1], $0x80, s15, s17, $0xb8;
	[tilespmem:$0x10C80] =	vst v63  }
0xa9: {  	_ =	swait.ge [sflag:s22], $0x4000  }
0xaa: {  	s7 =	rddreg [dreg:$0x5];
	[sflag:s22] =	ssyncset.done $0x0  }
0xab: {  	[sflag:s22] =	ssyncadd.s32 $0xFFFFC000;
	s5 =	sadd.s32 s5, s7  }
0xac: {  	[hbm4b:s5+s2] =	stream.linear.scatter [tilespmem:s23], [sflag:$0x5], $0x4000, $0x38;
	[tilespmem:$0x10C80] =	vst v63  }
0xad: {  	_ =	swait.ge [sflag:s24], $0x4000  }
0xae: {  	[sflag:s24] =	ssyncset.done $0x0  }
0xaf: {  	s6 =	sadd.s32 $0x800, s5;
	[sflag:s24] =	ssyncadd.s32 $0xFFFFC000  }
0xb0: {  	[hbm4b:s6+s2] =	stream.linear.scatter [tilespmem:s25], [sflag:$0x6], $0x4000, $0x38;
	[tilespmem:$0x10C80] =	vst v63  }
0xb1: {  	_ =	swait.ge [sflag:s26], $0x4000  }
0xb2: {  	[sflag:s26] =	ssyncset.done $0x0  }
0xb3: {  	s9 =	sadd.s32 $0x1000, s5;
	[sflag:s26] =	ssyncadd.s32 $0xFFFFC000  }
0xb4: {  	[hbm4b:s9+s2] =	stream.linear.scatter [tilespmem:s28], [sflag:$0x7], $0x4000, $0x38;
	[tilespmem:$0x10C80] =	vst v63  }
0xb5: {  	s14 =	sadd.s32 $0x2, s14;
	_ =	swait.ge [sflag:s29], $0x4000  }
0xb6: {  	p2 =	slt.s32 s14, $0xC5;
	[sflag:s29] =	ssyncset.done $0x0  }
0xb7: {  	s7 =	sadd.s32 $0x1800, s5;
	s6 =	smov.u32 s14;
	[sflag:s29] =	ssyncadd.s32 $0xFFFFC000  }
0xb8: {  	[hbm4b:s7+s2] =	stream.linear.scatter [tilespmem:s21], [sflag:$0x8], $0x4000, $0x38;
	[tilespmem:$0x10C80] =	vst v63  }
0xb9: {  	s6 =	simm.s32 @!p2 $0xC5;
	_ =	swait.ge [sflag:s30], $0x200  }
0xba: {  	s6 =	sshll.u32 s6, $0x9;
	s9 =	rddreg [dreg:$0x4]  }
0xbb: {  	s6 =	sadd.s32 s6, s9  }
0xbc: {  	[sflag:s30] =	ssyncset.done $0x0;
	s6 =	sshrl.u32 s6, $0x3  }
0xbd: {  	[sflag:s30] =	ssyncadd.s32 $0xFFFFFE00;
	s6 =	sadd.s32 s13, s6  }
0xbe: {  	[tilespmem:s2], [sflag:$0x9] =	stream.linear.gather [hbm4b:s6+s2], $0x80, $0x38;
	[tilespmem:$0x10C80] =	vst v63  }
0xbf: {  	s3 =	simm.s32 $0x100;
	s7 =	sadd.s32 $0x10, s6  }
0xc0: {  	[tilespmem:s3], [sflag:$0x9] =	stream.linear.gather [hbm4b:s7+s2], $0x80, $0x38;
	[tilespmem:$0x10C80] =	vst v63  }
0xc1: {  	s11 =	simm.s32 $0x200;
	s9 =	sadd.s32 $0x20, s6  }
0xc2: {  	[tilespmem:s11], [sflag:$0x9] =	stream.linear.gather [hbm4b:s9+s2], $0x80, $0x38;
	[tilespmem:$0x10C80] =	vst v63  }
0xc3: {  	s6 =	sadd.s32 $0x30, s6  }
0xc4: {  	[tilespmem:s15], [sflag:$0x9] =	stream.linear.gather [hbm4b:s6+s2], $0x80, $0x38;
	[tilespmem:$0x10C80] =	vst v63  }
0xc5: {  	_ =	swait.ge [sflag:s31], $0x4000  }
0xc6: {  	[sflag:s31] =	ssyncset.done $0x0  }
0xc7: {  	[sflag:s31] =	ssyncadd.s32 $0xFFFFC000  }
0xc8: {  	[tilespmem:s23], [sflag:$0x1] =	stream.indirect.gather [spmem:s1], $0x80, s17, s17, $0xb8;
	[tilespmem:$0x10C80] =	vst v63  }
0xc9: {  	_ =	swait.ge [sflag:s0], $0x4000  }
0xca: {  	[sflag:s0] =	ssyncset.done $0x0  }
0xcb: {  	[sflag:s0] =	ssyncadd.s32 $0xFFFFC000  }
0xcc: {  	[tilespmem:s25], [sflag:$0x2] =	stream.indirect.gather [spmem:s1], $0x80, s18, s17, $0xb8;
	[tilespmem:$0x10C80] =	vst v63  }
0xcd: {  	_ =	swait.ge [sflag:s8], $0x4000  }
0xce: {  	[sflag:s8] =	ssyncset.done $0x0  }
0xcf: {  	[sflag:s8] =	ssyncadd.s32 $0xFFFFC000  }
0xd0: {  	[tilespmem:s28], [sflag:$0x3] =	stream.indirect.gather [spmem:s1], $0x80, s19, s17, $0xb8;
	[tilespmem:$0x10C80] =	vst v63  }
0xd1: {  	_ =	swait.ge [sflag:s4], $0x4000  }
0xd2: {  	[sflag:s4] =	ssyncset.done $0x0  }
0xd3: {  	[sflag:s4] =	ssyncadd.s32 $0xFFFFC000  }
0xd4: {  	[tilespmem:s21], [sflag:$0x4] =	stream.indirect.gather [spmem:s1], $0x80, s20, s17, $0xb8;
	[tilespmem:$0x10C80] =	vst v63  }
0xd5: {  	_ =	swait.ge [sflag:s22], $0x4000  }
0xd6: {  	[sflag:s22] =	ssyncset.done $0x0  }
0xd7: {  	s9 =	sadd.s32 $0x2000, s5;
	[sflag:s22] =	ssyncadd.s32 $0xFFFFC000  }
0xd8: {  	[hbm4b:s9+s2] =	stream.linear.scatter [tilespmem:s23], [sflag:$0x5], $0x4000, $0x38;
	[tilespmem:$0x10C80] =	vst v63  }
0xd9: {  	_ =	swait.ge [sflag:s24], $0x4000  }
0xda: {  	[sflag:s24] =	ssyncset.done $0x0  }
0xdb: {  	s10 =	sadd.s32 $0x4000, s10;
	s3 =	sadd.s32 $0x2800, s5;
	[sflag:s24] =	ssyncadd.s32 $0xFFFFC000  }
0xdc: {  	[hbm4b:s3+s2] =	stream.linear.scatter [tilespmem:s25], [sflag:$0x6], $0x4000, $0x38;
	[tilespmem:$0x10C80] =	vst v63  }
0xdd: {  	p1 =	sne.s32 s10, $0x190000;
	_ =	swait.ge [sflag:s26], $0x4000  }
.Ltmp0:
0xde: {  	[sflag:s26] =	ssyncset.done $0x0;
	(pc) =	sbr.rel @p1 .LBB2_2-.Ltmp0, $4  }
0xdf: {  	s9 =	sadd.s32 $0x3000, s5;
	[sflag:s26] =	ssyncadd.s32 $0xFFFFC000  }
0xe0: {  	[hbm4b:s9+s2] =	stream.linear.scatter [tilespmem:s28], [sflag:$0x7], $0x4000, $0x38;
	[tilespmem:$0x10C80] =	vst v63  }
0xe1: {  	s12 =	sadd.s32 $0x80, s12;
	_ =	swait.ge [sflag:s29], $0x4000  }
0xe2: {  	s7 =	simm.s32 $0x100;
	s9 =	sadd.s32 $0x3800, s5;
	[sflag:s29] =	ssyncset.done $0x0  }
0xe3: {  	[sflag:s29] =	ssyncadd.s32 $0xFFFFC000  }
0xe4: {  	[hbm4b:s9+s2] =	stream.linear.scatter [tilespmem:s21], [sflag:$0x8], $0x4000, $0x38;
	[tilespmem:$0x10C80] =	vst v63  }
0xe5: {  	_ =	swait.ge [sflag:s16], $0x200  }
0xe6: {  	[sflag:s16] =	ssyncset.done $0x0  }
0xe7: {  	[sflag:s16] =	ssyncadd.s32 $0xFFFFFE00  }
0xe8: {  	_ =	swait.ge [sflag:s31], $0x4000  }
0xe9: {  	[sflag:s31] =	ssyncset.done $0x0  }
0xea: {  	[sflag:s31] =	ssyncadd.s32 $0xFFFFC000  }
0xeb: {  	_ =	swait.ge [sflag:s0], $0x4000  }
0xec: {  	[sflag:s0] =	ssyncset.done $0x0  }
0xed: {  	[sflag:s0] =	ssyncadd.s32 $0xFFFFC000  }
0xee: {  	_ =	swait.ge [sflag:s8], $0x4000  }
0xef: {  	[sflag:s8] =	ssyncset.done $0x0  }
0xf0: {  	[sflag:s8] =	ssyncadd.s32 $0xFFFFC000  }
0xf1: {  	_ =	swait.ge [sflag:s4], $0x4000  }
0xf2: {  	s3 =	rddreg [dreg:$0xd]  }
0xf3: {  	s5 =	rddreg [dreg:$0x8];
	s3 =	sadd.s32 $0x1, s3  }
0xf4: {  	p1 =	sne.s32 s3, s5  }
.Ltmp1:
0xf5: {  	_ = 	snop;
	(pc) =	sbr.rel @p1 .LBB2_1-.Ltmp1, $3  }
0xf6: {  	_ =	sdelay $0x1  }
0xf7: {  	[sflag:s4] =	ssyncset.done $0x0  }
0xf8: {  	[sflag:s4] =	ssyncadd.s32 $0xFFFFC000  }
0xf9: {  	_ =	sfence.sel $0x180000  }
0xfa: {  	[bflag:$0x0] =	sbarrier.arrive $0xFFFF  }
0xfb: {  	_ =	strace $0x90000047  }
0xfc: {  	[bflag:$0x2] =	sbarrier.arrive $0xFFFF  }
0xfd: {  	s0 =	rddreg [dreg:$0x3]  }
0xfe: {  	s0 =	sadd.s32 @!p0 $0x100000, s0  }
0xff: {  	[sflag:s0] =	ssyncadd.tile.s32 @!p0 $0x1;
	_ =	shalt  }
.Lfunc_end2:
_tile_overlayer_lowered:
.L_overlay_start_2:
0x100: {  	(tag) =	ssettag $0x2  }
0x101: {  	s0 =	rddreg [dreg:$0x0];
	s2 =	stileid.u32  }
0x102: {  	s1 =	rddreg [dreg:$0x1];
	p0 =	sne.s32 s2, $0x0  }
0x103: {  	s3 =	rddreg [dreg:$0x2];
	[bflag:$0x3] =	sbarrier.arrive $0xFFFF;
	s2 =	simm.s32 @!p0 $0x1C0B  }
0x104: {  	[timem:s3], [sflag:s2] =	dma.local @!p0 [hbm:s0], s1  }
0x105: {  	s0 =	simm.s32 @!p0 $0xB  }
0x106: {  	_ =	swait.ge @!p0 [sflag:s0], s1  }
0x107: {  	s1 =	ssub.s32 @!p0 $0x0, s1;
	[sflag:s0] =	ssyncset.done @!p0 $0x0  }
0x108: {  	[sflag:s0] =	ssyncadd.s32 @!p0 s1  }
0x109: {  	[bflag:$0x3] =	sbarrier.arrive $0xFFFF  }
0x10a: {  	_ =	shalt  }

</sc_bundles>
